<compile_context>
chip_gen: v7x
topology: tpu7x:2x2x1
jax: 0.10.2.dev20260603
libtpu: 0.0.44.dev20260713+nightly
codegen_flags: <defaults>
</compile_context>

<pallas_src>
import jax
import jax.numpy as jnp
from jax import lax
from jax.experimental import pallas as pl
from jax.experimental.pallas import tpu as pltpu
from jax.experimental.pallas import tpu_sc as plsc

USER_NUM = 1000000
ITEM_NUM = 100000
D = 32
B = 4096
NEG = 50
NBR = 10
W1, W2, W3, W4 = 1e-07, 1.0, 1e-07, 1.0
NEGATIVE_WEIGHT = 10.0
GAMMA = 1e-4
LAMBDA = 2.75

NW = 32
BW = B // NW
NEGW = B * NEG // NW
NBRW = B * NBR // NW
NEG_CHUNK = 1600


def _sc_gather_body(users_h, pos_h, negf_h, nbre_h,
                    uemb_h, iemb_h, bu_h, bi_h, iin_h, iic_h,
                    u_out, p_out, n_out, nbr_out,
                    bu_out, bp_out, bn_out, sim_out,
                    idx_u, idx_p, idx_n, idx_e, nbr_i, rows, vals):
    wid = lax.axis_index("s") * 2 + lax.axis_index("c")
    ubase = wid * BW
    negbase = wid * NEGW
    nbase = wid * NBRW

    pltpu.sync_copy(users_h.at[pl.ds(ubase, BW)], idx_u)
    pltpu.sync_copy(pos_h.at[pl.ds(ubase, BW)], idx_p)
    pltpu.sync_copy(negf_h.at[pl.ds(negbase, NEGW)], idx_n)
    pltpu.sync_copy(nbre_h.at[pl.ds(nbase, NBRW)], idx_e)

    pltpu.sync_copy(uemb_h.at[idx_u], rows.at[pl.ds(0, BW)])
    pltpu.sync_copy(rows.at[pl.ds(0, BW)], u_out.at[pl.ds(ubase, BW)])
    pltpu.sync_copy(bu_h.at[idx_u], vals.at[pl.ds(0, BW)])
    pltpu.sync_copy(vals.at[pl.ds(0, BW)], bu_out.at[pl.ds(ubase, BW)])

    pltpu.sync_copy(iemb_h.at[idx_p], rows.at[pl.ds(0, BW)])
    pltpu.sync_copy(rows.at[pl.ds(0, BW)], p_out.at[pl.ds(ubase, BW)])
    pltpu.sync_copy(bi_h.at[idx_p], vals.at[pl.ds(0, BW)])
    pltpu.sync_copy(vals.at[pl.ds(0, BW)], bp_out.at[pl.ds(ubase, BW)])

    @pl.loop(0, NEGW, step=NEG_CHUNK)
    def _(c):
        pltpu.sync_copy(iemb_h.at[idx_n.at[pl.ds(c, NEG_CHUNK)]], rows)
        pltpu.sync_copy(rows, n_out.at[pl.ds(negbase + c, NEG_CHUNK)])
        pltpu.sync_copy(bi_h.at[idx_n.at[pl.ds(c, NEG_CHUNK)]], vals)
        pltpu.sync_copy(vals, bn_out.at[pl.ds(negbase + c, NEG_CHUNK)])

    pltpu.sync_copy(iin_h.at[idx_e], nbr_i)
    pltpu.sync_copy(iic_h.at[idx_e], vals.at[pl.ds(0, NBRW)])
    pltpu.sync_copy(vals.at[pl.ds(0, NBRW)], sim_out.at[pl.ds(nbase, NBRW)])
    pltpu.sync_copy(iemb_h.at[nbr_i], rows.at[pl.ds(0, NBRW)])
    pltpu.sync_copy(rows.at[pl.ds(0, NBRW)], nbr_out.at[pl.ds(nbase, NBRW)])


def _sc_gather(users, pos_items, neg_flat, nbr_elem,
               user_embeds, item_embeds, beta_uD, beta_iD,
               iin_flat, iic_flat):
    f32 = jnp.float32
    mesh = plsc.VectorSubcoreMesh(core_axis_name="c", subcore_axis_name="s")
    out_type = (
        jax.ShapeDtypeStruct((B, D), f32),
        jax.ShapeDtypeStruct((B, D), f32),
        jax.ShapeDtypeStruct((B * NEG, D), f32),
        jax.ShapeDtypeStruct((B * NBR, D), f32),
        jax.ShapeDtypeStruct((B,), f32),
        jax.ShapeDtypeStruct((B,), f32),
        jax.ShapeDtypeStruct((B * NEG,), f32),
        jax.ShapeDtypeStruct((B * NBR,), f32),
    )
    scratch = [
        pltpu.VMEM((BW,), jnp.int32),
        pltpu.VMEM((BW,), jnp.int32),
        pltpu.VMEM((NEGW,), jnp.int32),
        pltpu.VMEM((NBRW,), jnp.int32),
        pltpu.VMEM((NBRW,), jnp.int32),
        pltpu.VMEM((NEG_CHUNK, D), f32),
        pltpu.VMEM((NEG_CHUNK,), f32),
    ]
    k = pl.kernel(_sc_gather_body, out_type=out_type, mesh=mesh,
                  scratch_types=scratch,
                  compiler_params=pltpu.CompilerParams(
                      use_tc_tiling_on_sc=False))
    return k(users, pos_items, neg_flat, nbr_elem,
             user_embeds, item_embeds, beta_uD, beta_iD, iin_flat, iic_flat)


U_CHUNK = 65536
U_COLS = 16
U_VALID_TAIL = USER_NUM - 15 * U_CHUNK
I_CHUNK = 12800
I_COLS = 8
I_VALID_TAIL = ITEM_NUM - 7 * I_CHUNK


def _sumsq_body(valid_tail, x_ref, o_ref, acc):
    g = pl.program_id(0)
    j = pl.program_id(1)
    nj = pl.num_programs(1)

    @pl.when(jnp.logical_and(g == 0, j == 0))
    def _():
        acc[0] = 0.0

    x = x_ref[...]
    lane = jax.lax.broadcasted_iota(jnp.int32, x.shape, 1)
    x = jnp.where(jnp.logical_or(j < nj - 1, lane < valid_tail), x, 0.0)
    acc[0] += jnp.sum(x * x)

    @pl.when(jnp.logical_and(g == pl.num_programs(0) - 1, j == nj - 1))
    def _():
        o_ref[0] = acc[0]


def _sumsq(x_t, chunk, cols, valid_tail):
    import functools
    out = pl.pallas_call(
        functools.partial(_sumsq_body, valid_tail),
        grid=(x_t.shape[0] // 8, cols),
        in_specs=[pl.BlockSpec((8, chunk), lambda g, j: (g, j))],
        out_specs=pl.BlockSpec(memory_space=pltpu.SMEM),
        out_shape=jax.ShapeDtypeStruct((1,), jnp.float32),
        scratch_shapes=[pltpu.SMEM((1,), jnp.float32)],
    )(x_t)
    return out[0]


def _norm(ue_t, it_t):
    su = _sumsq(ue_t, U_CHUNK, U_COLS, U_VALID_TAIL)
    si = _sumsq(it_t, I_CHUNK, I_COLS, I_VALID_TAIL)
    return (su + si) * 0.5


def _loss_body(u_ref, p_ref, bu_ref, bp_ref, n_ref, bn_ref, nbr_ref, sim_ref,
               o_ref, acc):
    step = pl.program_id(0)

    @pl.when(step == 0)
    def _():
        acc[0] = 0.0

    u = u_ref[...]
    p = p_ref[...]
    bu = bu_ref[...]
    bp = bp_ref[...]
    n = n_ref[...]
    bn = bn_ref[...]
    nbr = nbr_ref[...]
    sim = sim_ref[...]

    pos_scores = jnp.sum(u * p, axis=-1, keepdims=True)
    pos_w = W1 + W2 * (bu * bp)
    pos_part = jnp.sum(pos_w * jax.nn.softplus(-pos_scores))

    neg_scores = jnp.sum(u[:, None, :] * n, axis=-1)
    neg_w = W3 + W4 * (bu * bn)
    neg_part = jnp.sum(neg_w * jax.nn.softplus(neg_scores))

    nbr_scores = jnp.sum(u[:, None, :] * nbr, axis=-1)
    i_part = jnp.sum(sim * jax.nn.softplus(-nbr_scores))

    acc[0] += (pos_part + (NEGATIVE_WEIGHT / NEG) * neg_part + LAMBDA * i_part)

    @pl.when(step == pl.num_programs(0) - 1)
    def _():
        o_ref[0] = acc[0]


def _loss(u, p, bu, bp, n, bn, nbr, sim):
    grid = 16
    bc = B // grid
    n3 = n.reshape(B, NEG, D)
    nbr3 = nbr.reshape(B, NBR, D)
    bu2 = bu.reshape(B, 1)
    bp2 = bp.reshape(B, 1)
    bn2 = bn.reshape(B, NEG)
    sim2 = sim.reshape(B, NBR)
    out = pl.pallas_call(
        _loss_body,
        grid=(grid,),
        in_specs=[
            pl.BlockSpec((bc, D), lambda i: (i, 0)),
            pl.BlockSpec((bc, D), lambda i: (i, 0)),
            pl.BlockSpec((bc, 1), lambda i: (i, 0)),
            pl.BlockSpec((bc, 1), lambda i: (i, 0)),
            pl.BlockSpec((bc, NEG, D), lambda i: (i, 0, 0)),
            pl.BlockSpec((bc, NEG), lambda i: (i, 0)),
            pl.BlockSpec((bc, NBR, D), lambda i: (i, 0, 0)),
            pl.BlockSpec((bc, NBR), lambda i: (i, 0)),
        ],
        out_specs=pl.BlockSpec(memory_space=pltpu.SMEM),
        out_shape=jax.ShapeDtypeStruct((1,), jnp.float32),
        scratch_shapes=[pltpu.SMEM((1,), jnp.float32)],
    )(u, p, bu2, bp2, n3, bn2, nbr3, sim2)
    return out[0]


@jax.jit
def _run(users, pos_items, neg_items, user_embeds, item_embeds,
         beta_uD, beta_iD, ii_neighbor_mat, ii_constraint_mat):
    i32 = jnp.int32
    users = users.astype(i32)
    pos_items = pos_items.astype(i32)
    neg_flat = neg_items.astype(i32).reshape(-1)
    nbr_elem = (pos_items * NBR)[:, None] + jnp.arange(NBR, dtype=i32)
    nbr_elem = nbr_elem.reshape(-1)
    iin_flat = ii_neighbor_mat.astype(i32).reshape(-1)
    iic_flat = ii_constraint_mat.reshape(-1)

    u, p, n, nbr, bu, bp, bn, sim = _sc_gather(
        users, pos_items, neg_flat, nbr_elem,
        user_embeds, item_embeds, beta_uD, beta_iD, iin_flat, iic_flat)

    norm = _norm(jnp.transpose(user_embeds), jnp.transpose(item_embeds))
    loss = _loss(u, p, bu, bp, n, bn, nbr, sim)
    return loss + GAMMA * norm


def kernel(users, pos_items, neg_items, user_embeds, item_embeds,
           beta_uD, beta_iD, ii_neighbor_mat, ii_constraint_mat):
    return _run(users, pos_items, neg_items, user_embeds, item_embeds,
                beta_uD, beta_iD, ii_neighbor_mat, ii_constraint_mat)

# --- scband reference (transcript-rebuilt; emitter-appended) ---
"""Pipeline reference for scband-ultra-gcn-18330920419904 (READ-ONLY COPY).

The authoritative reference and input builder live on the scoring server;
editing this copy changes nothing except your own understanding.
"""

import jax, jax.numpy as jnp
import numpy as np

USER_NUM = 1000000
ITEM_NUM = 100000
D = 32
B = 4096
NEG = 50
NBR = 10
W1, W2, W3, W4 = 1e-07, 1.0, 1e-07, 1.0
NEGATIVE_WEIGHT = 10.0
GAMMA = 1e-4
LAMBDA = 2.75
INITIAL_WEIGHT = 1e-4


def setup_inputs(seed: int = 0) -> dict:
    key = jax.random.key(seed)
    ks = jax.random.split(key, 9)
    users = jax.random.randint(ks[0], (B,), 0, USER_NUM)
    pos_items = jax.random.randint(ks[1], (B,), 0, ITEM_NUM)
    neg_items = jax.random.randint(ks[2], (B, NEG), 0, ITEM_NUM)
    user_embeds = jax.random.normal(ks[3], (USER_NUM, D), dtype=jnp.float32) * INITIAL_WEIGHT
    item_embeds = jax.random.normal(ks[4], (ITEM_NUM, D), dtype=jnp.float32) * INITIAL_WEIGHT
    beta_uD = jax.random.uniform(ks[5], (USER_NUM,), dtype=jnp.float32)
    beta_iD = jax.random.uniform(ks[6], (ITEM_NUM,), dtype=jnp.float32)
    ii_neighbor_mat = jax.random.randint(ks[7], (ITEM_NUM, NBR), 0, ITEM_NUM)
    ii_constraint_mat = jax.random.uniform(ks[8], (ITEM_NUM, NBR), dtype=jnp.float32)
    return {
        'users': users,
        'pos_items': pos_items,
        'neg_items': neg_items,
        'user_embeds': user_embeds,
        'item_embeds': item_embeds,
        'beta_uD': beta_uD,
        'beta_iD': beta_iD,
        'ii_neighbor_mat': ii_neighbor_mat,
        'ii_constraint_mat': ii_constraint_mat,
    }


def reference(users, pos_items, neg_items, user_embeds, item_embeds,
              beta_uD, beta_iD, ii_neighbor_mat, ii_constraint_mat):
    # get_omegas
    pos_weight = W1 + W2 * (beta_uD[users] * beta_iD[pos_items])
    neg_weight = W3 + W4 * (jnp.repeat(beta_uD[users], neg_items.shape[1]) * beta_iD[neg_items.flatten()])

    # cal_loss_L
    u = user_embeds[users]                     # [B, D]
    p = item_embeds[pos_items]                 # [B, D]
    n = item_embeds[neg_items]                 # [B, NEG, D]
    pos_scores = jnp.sum(u * p, axis=-1)       # [B]
    neg_scores = jnp.sum(u[:, None, :] * n, axis=-1)  # [B, NEG]
    # BCE-with-logits, label 0 for neg: w * softplus(x); label 1 for pos: w * softplus(-x)
    neg_w = neg_weight.reshape(neg_scores.shape)
    neg_loss = jnp.mean(neg_w * jax.nn.softplus(neg_scores), axis=-1)  # [B]
    pos_loss = pos_weight * jax.nn.softplus(-pos_scores)               # [B]
    loss_L = jnp.sum(pos_loss + neg_loss * NEGATIVE_WEIGHT)

    # norm_loss over parameters (the two embedding tables)
    norm = (jnp.sum(user_embeds ** 2) + jnp.sum(item_embeds ** 2)) / 2.0

    # cal_loss_I
    nbr = item_embeds[ii_neighbor_mat[pos_items]]   # [B, NBR, D]
    sim = ii_constraint_mat[pos_items]              # [B, NBR]
    s = jnp.sum(u[:, None, :] * nbr, axis=-1)       # [B, NBR]
    # -sim * log(sigmoid(s)) = sim * softplus(-s)
    loss_I = jnp.sum(sim * jax.nn.softplus(-s))

    return loss_L + GAMMA * norm + LAMBDA * loss_I

if __name__ == "__main__":
    import jax
    _d = setup_inputs()
    print(jax.jit(kernel)(*tuple(_d.values())))

</pallas_src>

<mosaic_0001>
#map = affine_map<(d0, d1) -> (0)>
#map1 = affine_map<(d0, d1) -> (0, 0)>
module attributes {stable_mosaic.version = 14 : i64} {
  func.func @_sc_gather_body(%arg0: i32, %arg1: i32, %arg2: memref<4096xi32, #tpu.memory_space<hbm>>, %arg3: memref<4096xi32, #tpu.memory_space<hbm>>, %arg4: memref<204800xi32, #tpu.memory_space<hbm>>, %arg5: memref<40960xi32, #tpu.memory_space<hbm>>, %arg6: memref<1000000x32xf32, #tpu.memory_space<hbm>>, %arg7: memref<100000x32xf32, #tpu.memory_space<hbm>>, %arg8: memref<1000000xf32, #tpu.memory_space<hbm>>, %arg9: memref<100000xf32, #tpu.memory_space<hbm>>, %arg10: memref<1000000xi32, #tpu.memory_space<hbm>>, %arg11: memref<1000000xf32, #tpu.memory_space<hbm>>, %arg12: memref<4096x32xf32, #tpu.memory_space<hbm>>, %arg13: memref<4096x32xf32, #tpu.memory_space<hbm>>, %arg14: memref<204800x32xf32, #tpu.memory_space<hbm>>, %arg15: memref<40960x32xf32, #tpu.memory_space<hbm>>, %arg16: memref<4096xf32, #tpu.memory_space<hbm>>, %arg17: memref<4096xf32, #tpu.memory_space<hbm>>, %arg18: memref<204800xf32, #tpu.memory_space<hbm>>, %arg19: memref<40960xf32, #tpu.memory_space<hbm>>, %arg20: memref<128xi32, #tpu.memory_space<vmem>>, %arg21: memref<128xi32, #tpu.memory_space<vmem>>, %arg22: memref<6400xi32, #tpu.memory_space<vmem>>, %arg23: memref<1280xi32, #tpu.memory_space<vmem>>, %arg24: memref<1280xi32, #tpu.memory_space<vmem>>, %arg25: memref<1600x32xf32, #tpu.memory_space<vmem>>, %arg26: memref<1600xf32, #tpu.memory_space<vmem>>) attributes {dimension_semantics = [#tpu.dimension_semantics<core_parallel>, #tpu.dimension_semantics<subcore_parallel>], iteration_bounds = array<i64: 2, 16>, scalar_prefetch = 0 : i64, scratch_operands = 7 : i64, tpu.core_type = #tpu.core_type<sc_vector_subcore>, window_params = [{transform_indices = #map}, {transform_indices = #map}, {transform_indices = #map}, {transform_indices = #map}, {transform_indices = #map1}, {transform_indices = #map1}, {transform_indices = #map}, {transform_indices = #map}, {transform_indices = #map}, {transform_indices = #map}, {transform_indices = #map1}, {transform_indices = #map1}, {transform_indices = #map1}, {transform_indices = #map1}, {transform_indices = #map}, {transform_indices = #map}, {transform_indices = #map}, {transform_indices = #map}]} {
    %mul3A = arith.constant 2 : i32
    %mul3A_0 = arith.muli %arg1, %mul3A : i32
    %add3A = arith.addi %mul3A_0, %arg0 : i32
    %mul3A_1 = arith.constant 128 : i32
    %mul3A_2 = arith.muli %add3A, %mul3A_1 : i32
    %mul3A_3 = arith.constant 6400 : i32
    %mul3A_4 = arith.muli %add3A, %mul3A_3 : i32
    %mul3A_5 = arith.constant 1280 : i32
    %mul3A_6 = arith.muli %add3A, %mul3A_5 : i32
    "tpu.region"() ({
      %run_scoped3A = tpu.sem_alloc : memref<!tpu.dma_semaphore, #tpu.memory_space<semaphore_mem>>
      %dma_start3A = tpu.memref_slice %arg2[%mul3A_2] : memref<4096xi32, #tpu.memory_space<hbm>> -> memref<128xi32, #tpu.memory_space<hbm>>
      %dma_start3A_11 = tpu.memref_slice %arg2[%mul3A_2] : memref<4096xi32, #tpu.memory_space<hbm>> -> memref<128xi32, #tpu.memory_space<hbm>>
      tpu.enqueue_dma source(%dma_start3A_11 : memref<128xi32, #tpu.memory_space<hbm>>) target(%arg20 : memref<128xi32, #tpu.memory_space<vmem>>) target_semaphore(%run_scoped3A : memref<!tpu.dma_semaphore, #tpu.memory_space<semaphore_mem>>)
      %dma_wait3A = tpu.memref_slice %arg2[%mul3A_2] : memref<4096xi32, #tpu.memory_space<hbm>> -> memref<128xi32, #tpu.memory_space<hbm>>
      %dma_wait3A_12 = tpu.memref_slice %arg2[%mul3A_2] : memref<4096xi32, #tpu.memory_space<hbm>> -> memref<128xi32, #tpu.memory_space<hbm>>
      tpu.wait_dma2 semaphore(%run_scoped3A : memref<!tpu.dma_semaphore, #tpu.memory_space<semaphore_mem>>) src(%dma_wait3A_12 : memref<128xi32, #tpu.memory_space<hbm>>) dst(%arg20 : memref<128xi32, #tpu.memory_space<vmem>>)
      tpu.yield
    }) : () -> ()
    "tpu.region"() ({
      %run_scoped3A = tpu.sem_alloc : memref<!tpu.dma_semaphore, #tpu.memory_space<semaphore_mem>>
      %dma_start3A = tpu.memref_slice %arg3[%mul3A_2] : memref<4096xi32, #tpu.memory_space<hbm>> -> memref<128xi32, #tpu.memory_space<hbm>>
      %dma_start3A_11 = tpu.memref_slice %arg3[%mul3A_2] : memref<4096xi32, #tpu.memory_space<hbm>> -> memref<128xi32, #tpu.memory_space<hbm>>
      tpu.enqueue_dma source(%dma_start3A_11 : memref<128xi32, #tpu.memory_space<hbm>>) target(%arg21 : memref<128xi32, #tpu.memory_space<vmem>>) target_semaphore(%run_scoped3A : memref<!tpu.dma_semaphore, #tpu.memory_space<semaphore_mem>>)
      %dma_wait3A = tpu.memref_slice %arg3[%mul3A_2] : memref<4096xi32, #tpu.memory_space<hbm>> -> memref<128xi32, #tpu.memory_space<hbm>>
      %dma_wait3A_12 = tpu.memref_slice %arg3[%mul3A_2] : memref<4096xi32, #tpu.memory_space<hbm>> -> memref<128xi32, #tpu.memory_space<hbm>>
      tpu.wait_dma2 semaphore(%run_scoped3A : memref<!tpu.dma_semaphore, #tpu.memory_space<semaphore_mem>>) src(%dma_wait3A_12 : memref<128xi32, #tpu.memory_space<hbm>>) dst(%arg21 : memref<128xi32, #tpu.memory_space<vmem>>)
      tpu.yield
    }) : () -> ()
    "tpu.region"() ({
      %run_scoped3A = tpu.sem_alloc : memref<!tpu.dma_semaphore, #tpu.memory_space<semaphore_mem>>
      %dma_start3A = tpu.memref_slice %arg4[%mul3A_4] : memref<204800xi32, #tpu.memory_space<hbm>> -> memref<6400xi32, #tpu.memory_space<hbm>>
      %dma_start3A_11 = tpu.memref_slice %arg4[%mul3A_4] : memref<204800xi32, #tpu.memory_space<hbm>> -> memref<6400xi32, #tpu.memory_space<hbm>>
      tpu.enqueue_dma source(%dma_start3A_11 : memref<6400xi32, #tpu.memory_space<hbm>>) target(%arg22 : memref<6400xi32, #tpu.memory_space<vmem>>) target_semaphore(%run_scoped3A : memref<!tpu.dma_semaphore, #tpu.memory_space<semaphore_mem>>)
      %dma_wait3A = tpu.memref_slice %arg4[%mul3A_4] : memref<204800xi32, #tpu.memory_space<hbm>> -> memref<6400xi32, #tpu.memory_space<hbm>>
      %dma_wait3A_12 = tpu.memref_slice %arg4[%mul3A_4] : memref<204800xi32, #tpu.memory_space<hbm>> -> memref<6400xi32, #tpu.memory_space<hbm>>
      tpu.wait_dma2 semaphore(%run_scoped3A : memref<!tpu.dma_semaphore, #tpu.memory_space<semaphore_mem>>) src(%dma_wait3A_12 : memref<6400xi32, #tpu.memory_space<hbm>>) dst(%arg22 : memref<6400xi32, #tpu.memory_space<vmem>>)
      tpu.yield
    }) : () -> ()
    "tpu.region"() ({
      %run_scoped3A = tpu.sem_alloc : memref<!tpu.dma_semaphore, #tpu.memory_space<semaphore_mem>>
      %dma_start3A = tpu.memref_slice %arg5[%mul3A_6] : memref<40960xi32, #tpu.memory_space<hbm>> -> memref<1280xi32, #tpu.memory_space<hbm>>
      %dma_start3A_11 = tpu.memref_slice %arg5[%mul3A_6] : memref<40960xi32, #tpu.memory_space<hbm>> -> memref<1280xi32, #tpu.memory_space<hbm>>
      tpu.enqueue_dma source(%dma_start3A_11 : memref<1280xi32, #tpu.memory_space<hbm>>) target(%arg23 : memref<1280xi32, #tpu.memory_space<vmem>>) target_semaphore(%run_scoped3A : memref<!tpu.dma_semaphore, #tpu.memory_space<semaphore_mem>>)
      %dma_wait3A = tpu.memref_slice %arg5[%mul3A_6] : memref<40960xi32, #tpu.memory_space<hbm>> -> memref<1280xi32, #tpu.memory_space<hbm>>
      %dma_wait3A_12 = tpu.memref_slice %arg5[%mul3A_6] : memref<40960xi32, #tpu.memory_space<hbm>> -> memref<1280xi32, #tpu.memory_space<hbm>>
      tpu.wait_dma2 semaphore(%run_scoped3A : memref<!tpu.dma_semaphore, #tpu.memory_space<semaphore_mem>>) src(%dma_wait3A_12 : memref<1280xi32, #tpu.memory_space<hbm>>) dst(%arg23 : memref<1280xi32, #tpu.memory_space<vmem>>)
      tpu.yield
    }) : () -> ()
    "tpu.region"() ({
      %run_scoped3A = tpu.sem_alloc : memref<!tpu.dma_semaphore, #tpu.memory_space<semaphore_mem>>
      %dma_start3A = arith.constant 0 : i32
      %dma_start3A_11 = arith.constant 0 : i32
      %dma_start3A_12 = tpu.memref_slice %arg25[%dma_start3A, %dma_start3A_11] : memref<1600x32xf32, #tpu.memory_space<vmem>> -> memref<128x32xf32, #tpu.memory_space<vmem>>
      %dma_start3A_13 = arith.constant 0 : i32
      %dma_start3A_14 = arith.constant 0 : i32
      %dma_start3A_15 = tpu.memref_slice %arg6[%dma_start3A_13, %dma_start3A_14] : memref<1000000x32xf32, #tpu.memory_space<hbm>> -> memref<1000000x32xf32, #tpu.memory_space<hbm>>
      tpu.enqueue_indirect_dma source(%dma_start3A_15 : memref<1000000x32xf32, #tpu.memory_space<hbm>>) target(%dma_start3A_12 : memref<128x32xf32, #tpu.memory_space<vmem>>) offsets(%arg20 : memref<128xi32, #tpu.memory_space<vmem>>) semaphore(%run_scoped3A : memref<!tpu.dma_semaphore, #tpu.memory_space<semaphore_mem>>)
      %dma_wait3A = arith.constant 0 : i32
      %dma_wait3A_16 = arith.constant 0 : i32
      %dma_wait3A_17 = tpu.memref_slice %arg25[%dma_wait3A, %dma_wait3A_16] : memref<1600x32xf32, #tpu.memory_space<vmem>> -> memref<128x32xf32, #tpu.memory_space<vmem>>
      %dma_wait3A_18 = arith.constant 0 : i32
      %dma_wait3A_19 = arith.constant 0 : i32
      %dma_wait3A_20 = tpu.memref_slice %arg6[%dma_wait3A_18, %dma_wait3A_19] : memref<1000000x32xf32, #tpu.memory_space<hbm>> -> memref<1000000x32xf32, #tpu.memory_space<hbm>>
      tpu.wait_indirect_dma semaphore(%run_scoped3A : memref<!tpu.dma_semaphore, #tpu.memory_space<semaphore_mem>>) src(%dma_wait3A_20 : memref<1000000x32xf32, #tpu.memory_space<hbm>>) dst(%dma_wait3A_17 : memref<128x32xf32, #tpu.memory_space<vmem>>)
      tpu.yield
    }) : () -> ()
    "tpu.region"() ({
      %run_scoped3A = tpu.sem_alloc : memref<!tpu.dma_semaphore, #tpu.memory_space<semaphore_mem>>
      %dma_start3A = arith.constant 0 : i32
      %dma_start3A_11 = arith.constant 0 : i32
      %dma_start3A_12 = tpu.memref_slice %arg25[%dma_start3A, %dma_start3A_11] : memref<1600x32xf32, #tpu.memory_space<vmem>> -> memref<128x32xf32, #tpu.memory_space<vmem>>
      %dma_start3A_13 = arith.constant 0 : i32
      %dma_start3A_14 = tpu.memref_slice %arg12[%mul3A_2, %dma_start3A_13] : memref<4096x32xf32, #tpu.memory_space<hbm>> -> memref<128x32xf32, #tpu.memory_space<hbm>>
      %dma_start3A_15 = arith.constant 0 : i32
      %dma_start3A_16 = tpu.memref_slice %arg12[%mul3A_2, %dma_start3A_15] : memref<4096x32xf32, #tpu.memory_space<hbm>> -> memref<128x32xf32, #tpu.memory_space<hbm>>
      %dma_start3A_17 = arith.constant 0 : i32
      %dma_start3A_18 = arith.constant 0 : i32
      %dma_start3A_19 = tpu.memref_slice %arg25[%dma_start3A_17, %dma_start3A_18] : memref<1600x32xf32, #tpu.memory_space<vmem>> -> memref<128x32xf32, #tpu.memory_space<vmem>>
      tpu.enqueue_dma source(%dma_start3A_19 : memref<128x32xf32, #tpu.memory_space<vmem>>) target(%dma_start3A_16 : memref<128x32xf32, #tpu.memory_space<hbm>>) target_semaphore(%run_scoped3A : memref<!tpu.dma_semaphore, #tpu.memory_space<semaphore_mem>>)
      %dma_wait3A = arith.constant 0 : i32
      %dma_wait3A_20 = arith.constant 0 : i32
      %dma_wait3A_21 = tpu.memref_slice %arg25[%dma_wait3A, %dma_wait3A_20] : memref<1600x32xf32, #tpu.memory_space<vmem>> -> memref<128x32xf32, #tpu.memory_space<vmem>>
      %dma_wait3A_22 = arith.constant 0 : i32
      %dma_wait3A_23 = tpu.memref_slice %arg12[%mul3A_2, %dma_wait3A_22] : memref<4096x32xf32, #tpu.memory_space<hbm>> -> memref<128x32xf32, #tpu.memory_space<hbm>>
      %dma_wait3A_24 = arith.constant 0 : i32
      %dma_wait3A_25 = tpu.memref_slice %arg12[%mul3A_2, %dma_wait3A_24] : memref<4096x32xf32, #tpu.memory_space<hbm>> -> memref<128x32xf32, #tpu.memory_space<hbm>>
      %dma_wait3A_26 = arith.constant 0 : i32
      %dma_wait3A_27 = arith.constant 0 : i32
      %dma_wait3A_28 = tpu.memref_slice %arg25[%dma_wait3A_26, %dma_wait3A_27] : memref<1600x32xf32, #tpu.memory_space<vmem>> -> memref<128x32xf32, #tpu.memory_space<vmem>>
      tpu.wait_dma2 semaphore(%run_scoped3A : memref<!tpu.dma_semaphore, #tpu.memory_space<semaphore_mem>>) src(%dma_wait3A_28 : memref<128x32xf32, #tpu.memory_space<vmem>>) dst(%dma_wait3A_25 : memref<128x32xf32, #tpu.memory_space<hbm>>)
      tpu.yield
    }) : () -> ()
    "tpu.region"() ({
      %run_scoped3A = tpu.sem_alloc : memref<!tpu.dma_semaphore, #tpu.memory_space<semaphore_mem>>
      %dma_start3A = arith.constant 0 : i32
      %dma_start3A_11 = tpu.memref_slice %arg26[%dma_start3A] : memref<1600xf32, #tpu.memory_space<vmem>> -> memref<128xf32, #tpu.memory_space<vmem>>
      %dma_start3A_12 = arith.constant 0 : i32
      %dma_start3A_13 = tpu.memref_slice %arg8[%dma_start3A_12] : memref<1000000xf32, #tpu.memory_space<hbm>> -> memref<1000000xf32, #tpu.memory_space<hbm>>
      tpu.enqueue_indirect_dma source(%dma_start3A_13 : memref<1000000xf32, #tpu.memory_space<hbm>>) target(%dma_start3A_11 : memref<128xf32, #tpu.memory_space<vmem>>) offsets(%arg20 : memref<128xi32, #tpu.memory_space<vmem>>) semaphore(%run_scoped3A : memref<!tpu.dma_semaphore, #tpu.memory_space<semaphore_mem>>)
      %dma_wait3A = arith.constant 0 : i32
      %dma_wait3A_14 = tpu.memref_slice %arg26[%dma_wait3A] : memref<1600xf32, #tpu.memory_space<vmem>> -> memref<128xf32, #tpu.memory_space<vmem>>
      %dma_wait3A_15 = arith.constant 0 : i32
      %dma_wait3A_16 = tpu.memref_slice %arg8[%dma_wait3A_15] : memref<1000000xf32, #tpu.memory_space<hbm>> -> memref<1000000xf32, #tpu.memory_space<hbm>>
      tpu.wait_indirect_dma semaphore(%run_scoped3A : memref<!tpu.dma_semaphore, #tpu.memory_space<semaphore_mem>>) src(%dma_wait3A_16 : memref<1000000xf32, #tpu.memory_space<hbm>>) dst(%dma_wait3A_14 : memref<128xf32, #tpu.memory_space<vmem>>)
      tpu.yield
    }) : () -> ()
    "tpu.region"() ({
      %run_scoped3A = tpu.sem_alloc : memref<!tpu.dma_semaphore, #tpu.memory_space<semaphore_mem>>
      %dma_start3A = arith.constant 0 : i32
      %dma_start3A_11 = tpu.memref_slice %arg26[%dma_start3A] : memref<1600xf32, #tpu.memory_space<vmem>> -> memref<128xf32, #tpu.memory_space<vmem>>
      %dma_start3A_12 = tpu.memref_slice %arg16[%mul3A_2] : memref<4096xf32, #tpu.memory_space<hbm>> -> memref<128xf32, #tpu.memory_space<hbm>>
      %dma_start3A_13 = tpu.memref_slice %arg16[%mul3A_2] : memref<4096xf32, #tpu.memory_space<hbm>> -> memref<128xf32, #tpu.memory_space<hbm>>
      %dma_start3A_14 = arith.constant 0 : i32
      %dma_start3A_15 = tpu.memref_slice %arg26[%dma_start3A_14] : memref<1600xf32, #tpu.memory_space<vmem>> -> memref<128xf32, #tpu.memory_space<vmem>>
      tpu.enqueue_dma source(%dma_start3A_15 : memref<128xf32, #tpu.memory_space<vmem>>) target(%dma_start3A_13 : memref<128xf32, #tpu.memory_space<hbm>>) target_semaphore(%run_scoped3A : memref<!tpu.dma_semaphore, #tpu.memory_space<semaphore_mem>>)
      %dma_wait3A = arith.constant 0 : i32
      %dma_wait3A_16 = tpu.memref_slice %arg26[%dma_wait3A] : memref<1600xf32, #tpu.memory_space<vmem>> -> memref<128xf32, #tpu.memory_space<vmem>>
      %dma_wait3A_17 = tpu.memref_slice %arg16[%mul3A_2] : memref<4096xf32, #tpu.memory_space<hbm>> -> memref<128xf32, #tpu.memory_space<hbm>>
      %dma_wait3A_18 = tpu.memref_slice %arg16[%mul3A_2] : memref<4096xf32, #tpu.memory_space<hbm>> -> memref<128xf32, #tpu.memory_space<hbm>>
      %dma_wait3A_19 = arith.constant 0 : i32
      %dma_wait3A_20 = tpu.memref_slice %arg26[%dma_wait3A_19] : memref<1600xf32, #tpu.memory_space<vmem>> -> memref<128xf32, #tpu.memory_space<vmem>>
      tpu.wait_dma2 semaphore(%run_scoped3A : memref<!tpu.dma_semaphore, #tpu.memory_space<semaphore_mem>>) src(%dma_wait3A_20 : memref<128xf32, #tpu.memory_space<vmem>>) dst(%dma_wait3A_18 : memref<128xf32, #tpu.memory_space<hbm>>)
      tpu.yield
    }) : () -> ()
    "tpu.region"() ({
      %run_scoped3A = tpu.sem_alloc : memref<!tpu.dma_semaphore, #tpu.memory_space<semaphore_mem>>
      %dma_start3A = arith.constant 0 : i32
      %dma_start3A_11 = arith.constant 0 : i32
      %dma_start3A_12 = tpu.memref_slice %arg25[%dma_start3A, %dma_start3A_11] : memref<1600x32xf32, #tpu.memory_space<vmem>> -> memref<128x32xf32, #tpu.memory_space<vmem>>
      %dma_start3A_13 = arith.constant 0 : i32
      %dma_start3A_14 = arith.constant 0 : i32
      %dma_start3A_15 = tpu.memref_slice %arg7[%dma_start3A_13, %dma_start3A_14] : memref<100000x32xf32, #tpu.memory_space<hbm>> -> memref<100000x32xf32, #tpu.memory_space<hbm>>
      tpu.enqueue_indirect_dma source(%dma_start3A_15 : memref<100000x32xf32, #tpu.memory_space<hbm>>) target(%dma_start3A_12 : memref<128x32xf32, #tpu.memory_space<vmem>>) offsets(%arg21 : memref<128xi32, #tpu.memory_space<vmem>>) semaphore(%run_scoped3A : memref<!tpu.dma_semaphore, #tpu.memory_space<semaphore_mem>>)
      %dma_wait3A = arith.constant 0 : i32
      %dma_wait3A_16 = arith.constant 0 : i32
      %dma_wait3A_17 = tpu.memref_slice %arg25[%dma_wait3A, %dma_wait3A_16] : memref<1600x32xf32, #tpu.memory_space<vmem>> -> memref<128x32xf32, #tpu.memory_space<vmem>>
      %dma_wait3A_18 = arith.constant 0 : i32
      %dma_wait3A_19 = arith.constant 0 : i32
      %dma_wait3A_20 = tpu.memref_slice %arg7[%dma_wait3A_18, %dma_wait3A_19] : memref<100000x32xf32, #tpu.memory_space<hbm>> -> memref<100000x32xf32, #tpu.memory_space<hbm>>
      tpu.wait_indirect_dma semaphore(%run_scoped3A : memref<!tpu.dma_semaphore, #tpu.memory_space<semaphore_mem>>) src(%dma_wait3A_20 : memref<100000x32xf32, #tpu.memory_space<hbm>>) dst(%dma_wait3A_17 : memref<128x32xf32, #tpu.memory_space<vmem>>)
      tpu.yield
    }) : () -> ()
    "tpu.region"() ({
      %run_scoped3A = tpu.sem_alloc : memref<!tpu.dma_semaphore, #tpu.memory_space<semaphore_mem>>
      %dma_start3A = arith.constant 0 : i32
      %dma_start3A_11 = arith.constant 0 : i32
      %dma_start3A_12 = tpu.memref_slice %arg25[%dma_start3A, %dma_start3A_11] : memref<1600x32xf32, #tpu.memory_space<vmem>> -> memref<128x32xf32, #tpu.memory_space<vmem>>
      %dma_start3A_13 = arith.constant 0 : i32
      %dma_start3A_14 = tpu.memref_slice %arg13[%mul3A_2, %dma_start3A_13] : memref<4096x32xf32, #tpu.memory_space<hbm>> -> memref<128x32xf32, #tpu.memory_space<hbm>>
      %dma_start3A_15 = arith.constant 0 : i32
      %dma_start3A_16 = tpu.memref_slice %arg13[%mul3A_2, %dma_start3A_15] : memref<4096x32xf32, #tpu.memory_space<hbm>> -> memref<128x32xf32, #tpu.memory_space<hbm>>
      %dma_start3A_17 = arith.constant 0 : i32
      %dma_start3A_18 = arith.constant 0 : i32
      %dma_start3A_19 = tpu.memref_slice %arg25[%dma_start3A_17, %dma_start3A_18] : memref<1600x32xf32, #tpu.memory_space<vmem>> -> memref<128x32xf32, #tpu.memory_space<vmem>>
      tpu.enqueue_dma source(%dma_start3A_19 : memref<128x32xf32, #tpu.memory_space<vmem>>) target(%dma_start3A_16 : memref<128x32xf32, #tpu.memory_space<hbm>>) target_semaphore(%run_scoped3A : memref<!tpu.dma_semaphore, #tpu.memory_space<semaphore_mem>>)
      %dma_wait3A = arith.constant 0 : i32
      %dma_wait3A_20 = arith.constant 0 : i32
      %dma_wait3A_21 = tpu.memref_slice %arg25[%dma_wait3A, %dma_wait3A_20] : memref<1600x32xf32, #tpu.memory_space<vmem>> -> memref<128x32xf32, #tpu.memory_space<vmem>>
      %dma_wait3A_22 = arith.constant 0 : i32
      %dma_wait3A_23 = tpu.memref_slice %arg13[%mul3A_2, %dma_wait3A_22] : memref<4096x32xf32, #tpu.memory_space<hbm>> -> memref<128x32xf32, #tpu.memory_space<hbm>>
      %dma_wait3A_24 = arith.constant 0 : i32
      %dma_wait3A_25 = tpu.memref_slice %arg13[%mul3A_2, %dma_wait3A_24] : memref<4096x32xf32, #tpu.memory_space<hbm>> -> memref<128x32xf32, #tpu.memory_space<hbm>>
      %dma_wait3A_26 = arith.constant 0 : i32
      %dma_wait3A_27 = arith.constant 0 : i32
      %dma_wait3A_28 = tpu.memref_slice %arg25[%dma_wait3A_26, %dma_wait3A_27] : memref<1600x32xf32, #tpu.memory_space<vmem>> -> memref<128x32xf32, #tpu.memory_space<vmem>>
      tpu.wait_dma2 semaphore(%run_scoped3A : memref<!tpu.dma_semaphore, #tpu.memory_space<semaphore_mem>>) src(%dma_wait3A_28 : memref<128x32xf32, #tpu.memory_space<vmem>>) dst(%dma_wait3A_25 : memref<128x32xf32, #tpu.memory_space<hbm>>)
      tpu.yield
    }) : () -> ()
    "tpu.region"() ({
      %run_scoped3A = tpu.sem_alloc : memref<!tpu.dma_semaphore, #tpu.memory_space<semaphore_mem>>
      %dma_start3A = arith.constant 0 : i32
      %dma_start3A_11 = tpu.memref_slice %arg26[%dma_start3A] : memref<1600xf32, #tpu.memory_space<vmem>> -> memref<128xf32, #tpu.memory_space<vmem>>
      %dma_start3A_12 = arith.constant 0 : i32
      %dma_start3A_13 = tpu.memref_slice %arg9[%dma_start3A_12] : memref<100000xf32, #tpu.memory_space<hbm>> -> memref<100000xf32, #tpu.memory_space<hbm>>
      tpu.enqueue_indirect_dma source(%dma_start3A_13 : memref<100000xf32, #tpu.memory_space<hbm>>) target(%dma_start3A_11 : memref<128xf32, #tpu.memory_space<vmem>>) offsets(%arg21 : memref<128xi32, #tpu.memory_space<vmem>>) semaphore(%run_scoped3A : memref<!tpu.dma_semaphore, #tpu.memory_space<semaphore_mem>>)
      %dma_wait3A = arith.constant 0 : i32
      %dma_wait3A_14 = tpu.memref_slice %arg26[%dma_wait3A] : memref<1600xf32, #tpu.memory_space<vmem>> -> memref<128xf32, #tpu.memory_space<vmem>>
      %dma_wait3A_15 = arith.constant 0 : i32
      %dma_wait3A_16 = tpu.memref_slice %arg9[%dma_wait3A_15] : memref<100000xf32, #tpu.memory_space<hbm>> -> memref<100000xf32, #tpu.memory_space<hbm>>
      tpu.wait_indirect_dma semaphore(%run_scoped3A : memref<!tpu.dma_semaphore, #tpu.memory_space<semaphore_mem>>) src(%dma_wait3A_16 : memref<100000xf32, #tpu.memory_space<hbm>>) dst(%dma_wait3A_14 : memref<128xf32, #tpu.memory_space<vmem>>)
      tpu.yield
    }) : () -> ()
    "tpu.region"() ({
      %run_scoped3A = tpu.sem_alloc : memref<!tpu.dma_semaphore, #tpu.memory_space<semaphore_mem>>
      %dma_start3A = arith.constant 0 : i32
      %dma_start3A_11 = tpu.memref_slice %arg26[%dma_start3A] : memref<1600xf32, #tpu.memory_space<vmem>> -> memref<128xf32, #tpu.memory_space<vmem>>
      %dma_start3A_12 = tpu.memref_slice %arg17[%mul3A_2] : memref<4096xf32, #tpu.memory_space<hbm>> -> memref<128xf32, #tpu.memory_space<hbm>>
      %dma_start3A_13 = tpu.memref_slice %arg17[%mul3A_2] : memref<4096xf32, #tpu.memory_space<hbm>> -> memref<128xf32, #tpu.memory_space<hbm>>
      %dma_start3A_14 = arith.constant 0 : i32
      %dma_start3A_15 = tpu.memref_slice %arg26[%dma_start3A_14] : memref<1600xf32, #tpu.memory_space<vmem>> -> memref<128xf32, #tpu.memory_space<vmem>>
      tpu.enqueue_dma source(%dma_start3A_15 : memref<128xf32, #tpu.memory_space<vmem>>) target(%dma_start3A_13 : memref<128xf32, #tpu.memory_space<hbm>>) target_semaphore(%run_scoped3A : memref<!tpu.dma_semaphore, #tpu.memory_space<semaphore_mem>>)
      %dma_wait3A = arith.constant 0 : i32
      %dma_wait3A_16 = tpu.memref_slice %arg26[%dma_wait3A] : memref<1600xf32, #tpu.memory_space<vmem>> -> memref<128xf32, #tpu.memory_space<vmem>>
      %dma_wait3A_17 = tpu.memref_slice %arg17[%mul3A_2] : memref<4096xf32, #tpu.memory_space<hbm>> -> memref<128xf32, #tpu.memory_space<hbm>>
      %dma_wait3A_18 = tpu.memref_slice %arg17[%mul3A_2] : memref<4096xf32, #tpu.memory_space<hbm>> -> memref<128xf32, #tpu.memory_space<hbm>>
      %dma_wait3A_19 = arith.constant 0 : i32
      %dma_wait3A_20 = tpu.memref_slice %arg26[%dma_wait3A_19] : memref<1600xf32, #tpu.memory_space<vmem>> -> memref<128xf32, #tpu.memory_space<vmem>>
      tpu.wait_dma2 semaphore(%run_scoped3A : memref<!tpu.dma_semaphore, #tpu.memory_space<semaphore_mem>>) src(%dma_wait3A_20 : memref<128xf32, #tpu.memory_space<vmem>>) dst(%dma_wait3A_18 : memref<128xf32, #tpu.memory_space<hbm>>)
      tpu.yield
    }) : () -> ()
    %scan3A = arith.constant 0 : i32
    %scan3A_7 = arith.constant 4 : i32
    %scan3A_8 = arith.addi %scan3A, %scan3A_7 : i32
    %scan3A_9 = arith.constant 1 : i32
    scf.for %scan3A_11 = %scan3A to %scan3A_8 step %scan3A_9  : i32 {
      %mul3A_12 = arith.constant 1600 : i32
      %mul3A_13 = arith.muli %scan3A_11, %mul3A_12 : i32
      %add3A_14 = arith.constant 0 : i32
      %add3A_15 = arith.addi %add3A_14, %mul3A_13 : i32
      "tpu.region"() ({
        %run_scoped3A = tpu.sem_alloc : memref<!tpu.dma_semaphore, #tpu.memory_space<semaphore_mem>>
        %dma_start3A = tpu.memref_slice %arg22[%add3A_15] : memref<6400xi32, #tpu.memory_space<vmem>> -> memref<1600xi32, #tpu.memory_space<vmem>>
        %dma_start3A_18 = arith.constant 0 : i32
        %dma_start3A_19 = arith.constant 0 : i32
        %dma_start3A_20 = tpu.memref_slice %arg7[%dma_start3A_18, %dma_start3A_19] : memref<100000x32xf32, #tpu.memory_space<hbm>> -> memref<100000x32xf32, #tpu.memory_space<hbm>>
        tpu.enqueue_indirect_dma source(%dma_start3A_20 : memref<100000x32xf32, #tpu.memory_space<hbm>>) target(%arg25 : memref<1600x32xf32, #tpu.memory_space<vmem>>) offsets(%dma_start3A : memref<1600xi32, #tpu.memory_space<vmem>>) semaphore(%run_scoped3A : memref<!tpu.dma_semaphore, #tpu.memory_space<semaphore_mem>>)
        %dma_wait3A = tpu.memref_slice %arg22[%add3A_15] : memref<6400xi32, #tpu.memory_space<vmem>> -> memref<1600xi32, #tpu.memory_space<vmem>>
        %dma_wait3A_21 = arith.constant 0 : i32
        %dma_wait3A_22 = arith.constant 0 : i32
        %dma_wait3A_23 = tpu.memref_slice %arg7[%dma_wait3A_21, %dma_wait3A_22] : memref<100000x32xf32, #tpu.memory_space<hbm>> -> memref<100000x32xf32, #tpu.memory_space<hbm>>
        tpu.wait_indirect_dma semaphore(%run_scoped3A : memref<!tpu.dma_semaphore, #tpu.memory_space<semaphore_mem>>) src(%dma_wait3A_23 : memref<100000x32xf32, #tpu.memory_space<hbm>>) dst(%arg25 : memref<1600x32xf32, #tpu.memory_space<vmem>>)
        tpu.yield
      }) : () -> ()
      %add3A_16 = arith.addi %mul3A_4, %add3A_15 : i32
      "tpu.region"() ({
        %run_scoped3A = tpu.sem_alloc : memref<!tpu.dma_semaphore, #tpu.memory_space<semaphore_mem>>
        %dma_start3A = arith.constant 0 : i32
        %dma_start3A_18 = tpu.memref_slice %arg14[%add3A_16, %dma_start3A] : memref<204800x32xf32, #tpu.memory_space<hbm>> -> memref<1600x32xf32, #tpu.memory_space<hbm>>
        %dma_start3A_19 = arith.constant 0 : i32
        %dma_start3A_20 = tpu.memref_slice %arg14[%add3A_16, %dma_start3A_19] : memref<204800x32xf32, #tpu.memory_space<hbm>> -> memref<1600x32xf32, #tpu.memory_space<hbm>>
        tpu.enqueue_dma source(%arg25 : memref<1600x32xf32, #tpu.memory_space<vmem>>) target(%dma_start3A_20 : memref<1600x32xf32, #tpu.memory_space<hbm>>) target_semaphore(%run_scoped3A : memref<!tpu.dma_semaphore, #tpu.memory_space<semaphore_mem>>)
        %dma_wait3A = arith.constant 0 : i32
        %dma_wait3A_21 = tpu.memref_slice %arg14[%add3A_16, %dma_wait3A] : memref<204800x32xf32, #tpu.memory_space<hbm>> -> memref<1600x32xf32, #tpu.memory_space<hbm>>
        %dma_wait3A_22 = arith.constant 0 : i32
        %dma_wait3A_23 = tpu.memref_slice %arg14[%add3A_16, %dma_wait3A_22] : memref<204800x32xf32, #tpu.memory_space<hbm>> -> memref<1600x32xf32, #tpu.memory_space<hbm>>
        tpu.wait_dma2 semaphore(%run_scoped3A : memref<!tpu.dma_semaphore, #tpu.memory_space<semaphore_mem>>) src(%arg25 : memref<1600x32xf32, #tpu.memory_space<vmem>>) dst(%dma_wait3A_23 : memref<1600x32xf32, #tpu.memory_space<hbm>>)
        tpu.yield
      }) : () -> ()
      "tpu.region"() ({
        %run_scoped3A = tpu.sem_alloc : memref<!tpu.dma_semaphore, #tpu.memory_space<semaphore_mem>>
        %dma_start3A = tpu.memref_slice %arg22[%add3A_15] : memref<6400xi32, #tpu.memory_space<vmem>> -> memref<1600xi32, #tpu.memory_space<vmem>>
        %dma_start3A_18 = arith.constant 0 : i32
        %dma_start3A_19 = tpu.memref_slice %arg9[%dma_start3A_18] : memref<100000xf32, #tpu.memory_space<hbm>> -> memref<100000xf32, #tpu.memory_space<hbm>>
        tpu.enqueue_indirect_dma source(%dma_start3A_19 : memref<100000xf32, #tpu.memory_space<hbm>>) target(%arg26 : memref<1600xf32, #tpu.memory_space<vmem>>) offsets(%dma_start3A : memref<1600xi32, #tpu.memory_space<vmem>>) semaphore(%run_scoped3A : memref<!tpu.dma_semaphore, #tpu.memory_space<semaphore_mem>>)
        %dma_wait3A = tpu.memref_slice %arg22[%add3A_15] : memref<6400xi32, #tpu.memory_space<vmem>> -> memref<1600xi32, #tpu.memory_space<vmem>>
        %dma_wait3A_20 = arith.constant 0 : i32
        %dma_wait3A_21 = tpu.memref_slice %arg9[%dma_wait3A_20] : memref<100000xf32, #tpu.memory_space<hbm>> -> memref<100000xf32, #tpu.memory_space<hbm>>
        tpu.wait_indirect_dma semaphore(%run_scoped3A : memref<!tpu.dma_semaphore, #tpu.memory_space<semaphore_mem>>) src(%dma_wait3A_21 : memref<100000xf32, #tpu.memory_space<hbm>>) dst(%arg26 : memref<1600xf32, #tpu.memory_space<vmem>>)
        tpu.yield
      }) : () -> ()
      %add3A_17 = arith.addi %mul3A_4, %add3A_15 : i32
      "tpu.region"() ({
        %run_scoped3A = tpu.sem_alloc : memref<!tpu.dma_semaphore, #tpu.memory_space<semaphore_mem>>
        %dma_start3A = tpu.memref_slice %arg18[%add3A_17] : memref<204800xf32, #tpu.memory_space<hbm>> -> memref<1600xf32, #tpu.memory_space<hbm>>
        %dma_start3A_18 = tpu.memref_slice %arg18[%add3A_17] : memref<204800xf32, #tpu.memory_space<hbm>> -> memref<1600xf32, #tpu.memory_space<hbm>>
        tpu.enqueue_dma source(%arg26 : memref<1600xf32, #tpu.memory_space<vmem>>) target(%dma_start3A_18 : memref<1600xf32, #tpu.memory_space<hbm>>) target_semaphore(%run_scoped3A : memref<!tpu.dma_semaphore, #tpu.memory_space<semaphore_mem>>)
        %dma_wait3A = tpu.memref_slice %arg18[%add3A_17] : memref<204800xf32, #tpu.memory_space<hbm>> -> memref<1600xf32, #tpu.memory_space<hbm>>
        %dma_wait3A_19 = tpu.memref_slice %arg18[%add3A_17] : memref<204800xf32, #tpu.memory_space<hbm>> -> memref<1600xf32, #tpu.memory_space<hbm>>
        tpu.wait_dma2 semaphore(%run_scoped3A : memref<!tpu.dma_semaphore, #tpu.memory_space<semaphore_mem>>) src(%arg26 : memref<1600xf32, #tpu.memory_space<vmem>>) dst(%dma_wait3A_19 : memref<1600xf32, #tpu.memory_space<hbm>>)
        tpu.yield
      }) : () -> ()
    }
    %scan3A_10 = arith.constant 4 : i32
    "tpu.region"() ({
      %run_scoped3A = tpu.sem_alloc : memref<!tpu.dma_semaphore, #tpu.memory_space<semaphore_mem>>
      %dma_start3A = arith.constant 0 : i32
      %dma_start3A_11 = tpu.memref_slice %arg10[%dma_start3A] : memref<1000000xi32, #tpu.memory_space<hbm>> -> memref<1000000xi32, #tpu.memory_space<hbm>>
      tpu.enqueue_indirect_dma source(%dma_start3A_11 : memref<1000000xi32, #tpu.memory_space<hbm>>) target(%arg24 : memref<1280xi32, #tpu.memory_space<vmem>>) offsets(%arg23 : memref<1280xi32, #tpu.memory_space<vmem>>) semaphore(%run_scoped3A : memref<!tpu.dma_semaphore, #tpu.memory_space<semaphore_mem>>)
      %dma_wait3A = arith.constant 0 : i32
      %dma_wait3A_12 = tpu.memref_slice %arg10[%dma_wait3A] : memref<1000000xi32, #tpu.memory_space<hbm>> -> memref<1000000xi32, #tpu.memory_space<hbm>>
      tpu.wait_indirect_dma semaphore(%run_scoped3A : memref<!tpu.dma_semaphore, #tpu.memory_space<semaphore_mem>>) src(%dma_wait3A_12 : memref<1000000xi32, #tpu.memory_space<hbm>>) dst(%arg24 : memref<1280xi32, #tpu.memory_space<vmem>>)
      tpu.yield
    }) : () -> ()
    "tpu.region"() ({
      %run_scoped3A = tpu.sem_alloc : memref<!tpu.dma_semaphore, #tpu.memory_space<semaphore_mem>>
      %dma_start3A = arith.constant 0 : i32
      %dma_start3A_11 = tpu.memref_slice %arg26[%dma_start3A] : memref<1600xf32, #tpu.memory_space<vmem>> -> memref<1280xf32, #tpu.memory_space<vmem>>
      %dma_start3A_12 = arith.constant 0 : i32
      %dma_start3A_13 = tpu.memref_slice %arg11[%dma_start3A_12] : memref<1000000xf32, #tpu.memory_space<hbm>> -> memref<1000000xf32, #tpu.memory_space<hbm>>
      tpu.enqueue_indirect_dma source(%dma_start3A_13 : memref<1000000xf32, #tpu.memory_space<hbm>>) target(%dma_start3A_11 : memref<1280xf32, #tpu.memory_space<vmem>>) offsets(%arg23 : memref<1280xi32, #tpu.memory_space<vmem>>) semaphore(%run_scoped3A : memref<!tpu.dma_semaphore, #tpu.memory_space<semaphore_mem>>)
      %dma_wait3A = arith.constant 0 : i32
      %dma_wait3A_14 = tpu.memref_slice %arg26[%dma_wait3A] : memref<1600xf32, #tpu.memory_space<vmem>> -> memref<1280xf32, #tpu.memory_space<vmem>>
      %dma_wait3A_15 = arith.constant 0 : i32
      %dma_wait3A_16 = tpu.memref_slice %arg11[%dma_wait3A_15] : memref<1000000xf32, #tpu.memory_space<hbm>> -> memref<1000000xf32, #tpu.memory_space<hbm>>
      tpu.wait_indirect_dma semaphore(%run_scoped3A : memref<!tpu.dma_semaphore, #tpu.memory_space<semaphore_mem>>) src(%dma_wait3A_16 : memref<1000000xf32, #tpu.memory_space<hbm>>) dst(%dma_wait3A_14 : memref<1280xf32, #tpu.memory_space<vmem>>)
      tpu.yield
    }) : () -> ()
    "tpu.region"() ({
      %run_scoped3A = tpu.sem_alloc : memref<!tpu.dma_semaphore, #tpu.memory_space<semaphore_mem>>
      %dma_start3A = arith.constant 0 : i32
      %dma_start3A_11 = tpu.memref_slice %arg26[%dma_start3A] : memref<1600xf32, #tpu.memory_space<vmem>> -> memref<1280xf32, #tpu.memory_space<vmem>>
      %dma_start3A_12 = tpu.memref_slice %arg19[%mul3A_6] : memref<40960xf32, #tpu.memory_space<hbm>> -> memref<1280xf32, #tpu.memory_space<hbm>>
      %dma_start3A_13 = tpu.memref_slice %arg19[%mul3A_6] : memref<40960xf32, #tpu.memory_space<hbm>> -> memref<1280xf32, #tpu.memory_space<hbm>>
      %dma_start3A_14 = arith.constant 0 : i32
      %dma_start3A_15 = tpu.memref_slice %arg26[%dma_start3A_14] : memref<1600xf32, #tpu.memory_space<vmem>> -> memref<1280xf32, #tpu.memory_space<vmem>>
      tpu.enqueue_dma source(%dma_start3A_15 : memref<1280xf32, #tpu.memory_space<vmem>>) target(%dma_start3A_13 : memref<1280xf32, #tpu.memory_space<hbm>>) target_semaphore(%run_scoped3A : memref<!tpu.dma_semaphore, #tpu.memory_space<semaphore_mem>>)
      %dma_wait3A = arith.constant 0 : i32
      %dma_wait3A_16 = tpu.memref_slice %arg26[%dma_wait3A] : memref<1600xf32, #tpu.memory_space<vmem>> -> memref<1280xf32, #tpu.memory_space<vmem>>
      %dma_wait3A_17 = tpu.memref_slice %arg19[%mul3A_6] : memref<40960xf32, #tpu.memory_space<hbm>> -> memref<1280xf32, #tpu.memory_space<hbm>>
      %dma_wait3A_18 = tpu.memref_slice %arg19[%mul3A_6] : memref<40960xf32, #tpu.memory_space<hbm>> -> memref<1280xf32, #tpu.memory_space<hbm>>
      %dma_wait3A_19 = arith.constant 0 : i32
      %dma_wait3A_20 = tpu.memref_slice %arg26[%dma_wait3A_19] : memref<1600xf32, #tpu.memory_space<vmem>> -> memref<1280xf32, #tpu.memory_space<vmem>>
      tpu.wait_dma2 semaphore(%run_scoped3A : memref<!tpu.dma_semaphore, #tpu.memory_space<semaphore_mem>>) src(%dma_wait3A_20 : memref<1280xf32, #tpu.memory_space<vmem>>) dst(%dma_wait3A_18 : memref<1280xf32, #tpu.memory_space<hbm>>)
      tpu.yield
    }) : () -> ()
    "tpu.region"() ({
      %run_scoped3A = tpu.sem_alloc : memref<!tpu.dma_semaphore, #tpu.memory_space<semaphore_mem>>
      %dma_start3A = arith.constant 0 : i32
      %dma_start3A_11 = arith.constant 0 : i32
      %dma_start3A_12 = tpu.memref_slice %arg25[%dma_start3A, %dma_start3A_11] : memref<1600x32xf32, #tpu.memory_space<vmem>> -> memref<1280x32xf32, #tpu.memory_space<vmem>>
      %dma_start3A_13 = arith.constant 0 : i32
      %dma_start3A_14 = arith.constant 0 : i32
      %dma_start3A_15 = tpu.memref_slice %arg7[%dma_start3A_13, %dma_start3A_14] : memref<100000x32xf32, #tpu.memory_space<hbm>> -> memref<100000x32xf32, #tpu.memory_space<hbm>>
      tpu.enqueue_indirect_dma source(%dma_start3A_15 : memref<100000x32xf32, #tpu.memory_space<hbm>>) target(%dma_start3A_12 : memref<1280x32xf32, #tpu.memory_space<vmem>>) offsets(%arg24 : memref<1280xi32, #tpu.memory_space<vmem>>) semaphore(%run_scoped3A : memref<!tpu.dma_semaphore, #tpu.memory_space<semaphore_mem>>)
      %dma_wait3A = arith.constant 0 : i32
      %dma_wait3A_16 = arith.constant 0 : i32
      %dma_wait3A_17 = tpu.memref_slice %arg25[%dma_wait3A, %dma_wait3A_16] : memref<1600x32xf32, #tpu.memory_space<vmem>> -> memref<1280x32xf32, #tpu.memory_space<vmem>>
      %dma_wait3A_18 = arith.constant 0 : i32
      %dma_wait3A_19 = arith.constant 0 : i32
      %dma_wait3A_20 = tpu.memref_slice %arg7[%dma_wait3A_18, %dma_wait3A_19] : memref<100000x32xf32, #tpu.memory_space<hbm>> -> memref<100000x32xf32, #tpu.memory_space<hbm>>
      tpu.wait_indirect_dma semaphore(%run_scoped3A : memref<!tpu.dma_semaphore, #tpu.memory_space<semaphore_mem>>) src(%dma_wait3A_20 : memref<100000x32xf32, #tpu.memory_space<hbm>>) dst(%dma_wait3A_17 : memref<1280x32xf32, #tpu.memory_space<vmem>>)
      tpu.yield
    }) : () -> ()
    "tpu.region"() ({
      %run_scoped3A = tpu.sem_alloc : memref<!tpu.dma_semaphore, #tpu.memory_space<semaphore_mem>>
      %dma_start3A = arith.constant 0 : i32
      %dma_start3A_11 = arith.constant 0 : i32
      %dma_start3A_12 = tpu.memref_slice %arg25[%dma_start3A, %dma_start3A_11] : memref<1600x32xf32, #tpu.memory_space<vmem>> -> memref<1280x32xf32, #tpu.memory_space<vmem>>
      %dma_start3A_13 = arith.constant 0 : i32
      %dma_start3A_14 = tpu.memref_slice %arg15[%mul3A_6, %dma_start3A_13] : memref<40960x32xf32, #tpu.memory_space<hbm>> -> memref<1280x32xf32, #tpu.memory_space<hbm>>
      %dma_start3A_15 = arith.constant 0 : i32
      %dma_start3A_16 = tpu.memref_slice %arg15[%mul3A_6, %dma_start3A_15] : memref<40960x32xf32, #tpu.memory_space<hbm>> -> memref<1280x32xf32, #tpu.memory_space<hbm>>
      %dma_start3A_17 = arith.constant 0 : i32
      %dma_start3A_18 = arith.constant 0 : i32
      %dma_start3A_19 = tpu.memref_slice %arg25[%dma_start3A_17, %dma_start3A_18] : memref<1600x32xf32, #tpu.memory_space<vmem>> -> memref<1280x32xf32, #tpu.memory_space<vmem>>
      tpu.enqueue_dma source(%dma_start3A_19 : memref<1280x32xf32, #tpu.memory_space<vmem>>) target(%dma_start3A_16 : memref<1280x32xf32, #tpu.memory_space<hbm>>) target_semaphore(%run_scoped3A : memref<!tpu.dma_semaphore, #tpu.memory_space<semaphore_mem>>)
      %dma_wait3A = arith.constant 0 : i32
      %dma_wait3A_20 = arith.constant 0 : i32
      %dma_wait3A_21 = tpu.memref_slice %arg25[%dma_wait3A, %dma_wait3A_20] : memref<1600x32xf32, #tpu.memory_space<vmem>> -> memref<1280x32xf32, #tpu.memory_space<vmem>>
      %dma_wait3A_22 = arith.constant 0 : i32
      %dma_wait3A_23 = tpu.memref_slice %arg15[%mul3A_6, %dma_wait3A_22] : memref<40960x32xf32, #tpu.memory_space<hbm>> -> memref<1280x32xf32, #tpu.memory_space<hbm>>
      %dma_wait3A_24 = arith.constant 0 : i32
      %dma_wait3A_25 = tpu.memref_slice %arg15[%mul3A_6, %dma_wait3A_24] : memref<40960x32xf32, #tpu.memory_space<hbm>> -> memref<1280x32xf32, #tpu.memory_space<hbm>>
      %dma_wait3A_26 = arith.constant 0 : i32
      %dma_wait3A_27 = arith.constant 0 : i32
      %dma_wait3A_28 = tpu.memref_slice %arg25[%dma_wait3A_26, %dma_wait3A_27] : memref<1600x32xf32, #tpu.memory_space<vmem>> -> memref<1280x32xf32, #tpu.memory_space<vmem>>
      tpu.wait_dma2 semaphore(%run_scoped3A : memref<!tpu.dma_semaphore, #tpu.memory_space<semaphore_mem>>) src(%dma_wait3A_28 : memref<1280x32xf32, #tpu.memory_space<vmem>>) dst(%dma_wait3A_25 : memref<1280x32xf32, #tpu.memory_space<hbm>>)
      tpu.yield
    }) : () -> ()
    return
  }
}

module attributes {stable_mosaic.version = 14 : i64} {
  func.func @_sumsq_body(%arg0: i32, %arg1: i32, %arg2: memref<8x65536xf32, #tpu.memory_space<vmem>>, %arg3: memref<1xf32, #tpu.memory_space<smem>>, %arg4: memref<1xf32, #tpu.memory_space<smem>>) attributes {dimension_semantics = [#tpu.dimension_semantics<arbitrary>, #tpu.dimension_semantics<arbitrary>], iteration_bounds = array<i64: 4, 16>, scalar_prefetch = 0 : i64, scratch_operands = 1 : i64, tpu.core_type = #tpu.core_type<tc>, window_params = [{transform_indices = @transform_0, window_bounds = array<i64: 8, 65536>}, {transform_indices = @transform_1, window_bounds = array<i64: 1>}]} {
    %eq3A = arith.constant 0 : i32
    %eq3A_0 = arith.cmpi eq, %arg0, %eq3A : i32
    %eq3A_1 = arith.constant 0 : i32
    %eq3A_2 = arith.cmpi eq, %arg1, %eq3A_1 : i32
    %and3A = arith.andi %eq3A_0, %eq3A_2 : i1
    %convert_element_type3A = arith.extui %and3A : i1 to i32
    %cond3A = arith.constant 0 : i32
    %cond3A_3 = arith.cmpi ne, %convert_element_type3A, %cond3A : i32
    scf.if %cond3A_3 {
      %swap3A_26 = arith.constant 0.000000e+00 : f32
      %swap3A_27 = arith.constant 0 : index
      %swap3A_28 = memref.load %arg4[%swap3A_27] : memref<1xf32, #tpu.memory_space<smem>>
      memref.store %swap3A_26, %arg4[%swap3A_27] : memref<1xf32, #tpu.memory_space<smem>>
    } else {
    }
    %get3A = arith.constant 0 : index
    %get3A_4 = arith.constant 0 : index
    %get3A_5 = vector.load %arg2[%get3A, %get3A_4] : memref<8x65536xf32, #tpu.memory_space<vmem>>, vector<8x65536xf32>
    %iota3A = tpu.iota {dimensions = array<i32: 1>} : vector<8x65536xi32>
    %lt3A = arith.constant 15 : i32
    %lt3A_6 = arith.cmpi slt, %arg1, %lt3A : i32
    %lt3A_7 = arith.constant 16960 : i32
    %lt3A_8 = vector.broadcast %lt3A_7 : i32 to vector<8x65536xi32>
    %lt3A_9 = arith.cmpi slt, %iota3A, %lt3A_8 : vector<8x65536xi32>
    %or3A = vector.broadcast %lt3A_6 : i1 to vector<8x65536xi1>
    %or3A_10 = arith.ori %or3A, %lt3A_9 : vector<8x65536xi1>
    %jit3A = arith.constant 0.000000e+00 : f32
    %broadcast_in_dim3A = vector.broadcast %jit3A : f32 to vector<8x65536xf32>
    %select_n3A = arith.select %or3A_10, %get3A_5, %broadcast_in_dim3A : vector<8x65536xi1>, vector<8x65536xf32>
    %get3A_11 = arith.constant 0 : index
    %get3A_12 = memref.load %arg4[%get3A_11] : memref<1xf32, #tpu.memory_space<smem>>
    %mul3A = arith.mulf %select_n3A, %select_n3A : vector<8x65536xf32>
    %reduce_sum3A = vector.shape_cast %mul3A : vector<8x65536xf32> to vector<1x8x65536xf32>
    %reduce_sum3A_13 = arith.constant dense<0.000000e+00> : vector<1xf32>
    %reduce_sum3A_14 = vector.multi_reduction <add>, %reduce_sum3A, %reduce_sum3A_13 [1, 2] : vector<1x8x65536xf32> to vector<1xf32>
    %reduce_sum3A_15 = vector.shape_cast %reduce_sum3A_14 : vector<1xf32> to vector<1x1x1xf32>
    %reduce_sum3A_16 = vector.extract %reduce_sum3A_15[0, 0, 0] : f32 from vector<1x1x1xf32>
    %add3A = arith.addf %get3A_12, %reduce_sum3A_16 : f32
    %swap3A = arith.constant 0 : index
    %swap3A_17 = memref.load %arg4[%swap3A] : memref<1xf32, #tpu.memory_space<smem>>
    memref.store %add3A, %arg4[%swap3A] : memref<1xf32, #tpu.memory_space<smem>>
    %eq3A_18 = arith.constant 3 : i32
    %eq3A_19 = arith.cmpi eq, %arg0, %eq3A_18 : i32
    %eq3A_20 = arith.constant 15 : i32
    %eq3A_21 = arith.cmpi eq, %arg1, %eq3A_20 : i32
    %and3A_22 = arith.andi %eq3A_19, %eq3A_21 : i1
    %convert_element_type3A_23 = arith.extui %and3A_22 : i1 to i32
    %cond3A_24 = arith.constant 0 : i32
    %cond3A_25 = arith.cmpi ne, %convert_element_type3A_23, %cond3A_24 : i32
    scf.if %cond3A_25 {
      %get3A_26 = arith.constant 0 : index
      %get3A_27 = memref.load %arg4[%get3A_26] : memref<1xf32, #tpu.memory_space<smem>>
      %swap3A_28 = arith.constant 0 : index
      %swap3A_29 = memref.load %arg3[%swap3A_28] : memref<1xf32, #tpu.memory_space<smem>>
      memref.store %get3A_27, %arg3[%swap3A_28] : memref<1xf32, #tpu.memory_space<smem>>
    } else {
    }
    return
  }
  func.func @transform_0(%arg0: i32, %arg1: i32) -> (i32, i32) {
    %c0_i32 = arith.constant 0 : i32
    return %arg0, %arg1 : i32, i32
  }
  func.func @transform_1(%arg0: i32, %arg1: i32) -> i32 {
    %c0_i32 = arith.constant 0 : i32
    %c0_i32_0 = arith.constant 0 : i32
    return %c0_i32 : i32
  }
}

module attributes {stable_mosaic.version = 14 : i64} {
  func.func @_sumsq_body(%arg0: i32, %arg1: i32, %arg2: memref<8x12800xf32, #tpu.memory_space<vmem>>, %arg3: memref<1xf32, #tpu.memory_space<smem>>, %arg4: memref<1xf32, #tpu.memory_space<smem>>) attributes {dimension_semantics = [#tpu.dimension_semantics<arbitrary>, #tpu.dimension_semantics<arbitrary>], iteration_bounds = array<i64: 4, 8>, scalar_prefetch = 0 : i64, scratch_operands = 1 : i64, tpu.core_type = #tpu.core_type<tc>, window_params = [{transform_indices = @transform_0, window_bounds = array<i64: 8, 12800>}, {transform_indices = @transform_1, window_bounds = array<i64: 1>}]} {
    %eq3A = arith.constant 0 : i32
    %eq3A_0 = arith.cmpi eq, %arg0, %eq3A : i32
    %eq3A_1 = arith.constant 0 : i32
    %eq3A_2 = arith.cmpi eq, %arg1, %eq3A_1 : i32
    %and3A = arith.andi %eq3A_0, %eq3A_2 : i1
    %convert_element_type3A = arith.extui %and3A : i1 to i32
    %cond3A = arith.constant 0 : i32
    %cond3A_3 = arith.cmpi ne, %convert_element_type3A, %cond3A : i32
    scf.if %cond3A_3 {
      %swap3A_26 = arith.constant 0.000000e+00 : f32
      %swap3A_27 = arith.constant 0 : index
      %swap3A_28 = memref.load %arg4[%swap3A_27] : memref<1xf32, #tpu.memory_space<smem>>
      memref.store %swap3A_26, %arg4[%swap3A_27] : memref<1xf32, #tpu.memory_space<smem>>
    } else {
    }
    %get3A = arith.constant 0 : index
    %get3A_4 = arith.constant 0 : index
    %get3A_5 = vector.load %arg2[%get3A, %get3A_4] : memref<8x12800xf32, #tpu.memory_space<vmem>>, vector<8x12800xf32>
    %iota3A = tpu.iota {dimensions = array<i32: 1>} : vector<8x12800xi32>
    %lt3A = arith.constant 7 : i32
    %lt3A_6 = arith.cmpi slt, %arg1, %lt3A : i32
    %lt3A_7 = arith.constant 10400 : i32
    %lt3A_8 = vector.broadcast %lt3A_7 : i32 to vector<8x12800xi32>
    %lt3A_9 = arith.cmpi slt, %iota3A, %lt3A_8 : vector<8x12800xi32>
    %or3A = vector.broadcast %lt3A_6 : i1 to vector<8x12800xi1>
    %or3A_10 = arith.ori %or3A, %lt3A_9 : vector<8x12800xi1>
    %jit3A = arith.constant 0.000000e+00 : f32
    %broadcast_in_dim3A = vector.broadcast %jit3A : f32 to vector<8x12800xf32>
    %select_n3A = arith.select %or3A_10, %get3A_5, %broadcast_in_dim3A : vector<8x12800xi1>, vector<8x12800xf32>
    %get3A_11 = arith.constant 0 : index
    %get3A_12 = memref.load %arg4[%get3A_11] : memref<1xf32, #tpu.memory_space<smem>>
    %mul3A = arith.mulf %select_n3A, %select_n3A : vector<8x12800xf32>
    %reduce_sum3A = vector.shape_cast %mul3A : vector<8x12800xf32> to vector<1x8x12800xf32>
    %reduce_sum3A_13 = arith.constant dense<0.000000e+00> : vector<1xf32>
    %reduce_sum3A_14 = vector.multi_reduction <add>, %reduce_sum3A, %reduce_sum3A_13 [1, 2] : vector<1x8x12800xf32> to vector<1xf32>
    %reduce_sum3A_15 = vector.shape_cast %reduce_sum3A_14 : vector<1xf32> to vector<1x1x1xf32>
    %reduce_sum3A_16 = vector.extract %reduce_sum3A_15[0, 0, 0] : f32 from vector<1x1x1xf32>
    %add3A = arith.addf %get3A_12, %reduce_sum3A_16 : f32
    %swap3A = arith.constant 0 : index
    %swap3A_17 = memref.load %arg4[%swap3A] : memref<1xf32, #tpu.memory_space<smem>>
    memref.store %add3A, %arg4[%swap3A] : memref<1xf32, #tpu.memory_space<smem>>
    %eq3A_18 = arith.constant 3 : i32
    %eq3A_19 = arith.cmpi eq, %arg0, %eq3A_18 : i32
    %eq3A_20 = arith.constant 7 : i32
    %eq3A_21 = arith.cmpi eq, %arg1, %eq3A_20 : i32
    %and3A_22 = arith.andi %eq3A_19, %eq3A_21 : i1
    %convert_element_type3A_23 = arith.extui %and3A_22 : i1 to i32
    %cond3A_24 = arith.constant 0 : i32
    %cond3A_25 = arith.cmpi ne, %convert_element_type3A_23, %cond3A_24 : i32
    scf.if %cond3A_25 {
      %get3A_26 = arith.constant 0 : index
      %get3A_27 = memref.load %arg4[%get3A_26] : memref<1xf32, #tpu.memory_space<smem>>
      %swap3A_28 = arith.constant 0 : index
      %swap3A_29 = memref.load %arg3[%swap3A_28] : memref<1xf32, #tpu.memory_space<smem>>
      memref.store %get3A_27, %arg3[%swap3A_28] : memref<1xf32, #tpu.memory_space<smem>>
    } else {
    }
    return
  }
  func.func @transform_0(%arg0: i32, %arg1: i32) -> (i32, i32) {
    %c0_i32 = arith.constant 0 : i32
    return %arg0, %arg1 : i32, i32
  }
  func.func @transform_1(%arg0: i32, %arg1: i32) -> i32 {
    %c0_i32 = arith.constant 0 : i32
    %c0_i32_0 = arith.constant 0 : i32
    return %c0_i32 : i32
  }
}

module attributes {stable_mosaic.version = 14 : i64} {
  func.func @_loss_body(%arg0: i32, %arg1: memref<256x32xf32, #tpu.memory_space<vmem>>, %arg2: memref<256x32xf32, #tpu.memory_space<vmem>>, %arg3: memref<256x1xf32, #tpu.memory_space<vmem>>, %arg4: memref<256x1xf32, #tpu.memory_space<vmem>>, %arg5: memref<256x50x32xf32, #tpu.memory_space<vmem>>, %arg6: memref<256x50xf32, #tpu.memory_space<vmem>>, %arg7: memref<256x10x32xf32, #tpu.memory_space<vmem>>, %arg8: memref<256x10xf32, #tpu.memory_space<vmem>>, %arg9: memref<1xf32, #tpu.memory_space<smem>>, %arg10: memref<1xf32, #tpu.memory_space<smem>>) attributes {dimension_semantics = [#tpu.dimension_semantics<arbitrary>], iteration_bounds = array<i64: 16>, scalar_prefetch = 0 : i64, scratch_operands = 1 : i64, tpu.core_type = #tpu.core_type<tc>, window_params = [{transform_indices = @transform_0, window_bounds = array<i64: 256, 32>}, {transform_indices = @transform_1, window_bounds = array<i64: 256, 32>}, {transform_indices = @transform_2, window_bounds = array<i64: 256, 1>}, {transform_indices = @transform_3, window_bounds = array<i64: 256, 1>}, {transform_indices = @transform_4, window_bounds = array<i64: 256, 50, 32>}, {transform_indices = @transform_5, window_bounds = array<i64: 256, 50>}, {transform_indices = @transform_6, window_bounds = array<i64: 256, 10, 32>}, {transform_indices = @transform_7, window_bounds = array<i64: 256, 10>}, {transform_indices = @transform_8, window_bounds = array<i64: 1>}]} {
    %eq3A = arith.constant 0 : i32
    %eq3A_0 = arith.cmpi eq, %arg0, %eq3A : i32
    %convert_element_type3A = arith.extui %eq3A_0 : i1 to i32
    %cond3A = arith.constant 0 : i32
    %cond3A_1 = arith.cmpi ne, %convert_element_type3A, %cond3A : i32
    scf.if %cond3A_1 {
      %swap3A_130 = arith.constant 0.000000e+00 : f32
      %swap3A_131 = arith.constant 0 : index
      %swap3A_132 = memref.load %arg10[%swap3A_131] : memref<1xf32, #tpu.memory_space<smem>>
      memref.store %swap3A_130, %arg10[%swap3A_131] : memref<1xf32, #tpu.memory_space<smem>>
    } else {
    }
    %get3A = arith.constant 0 : index
    %get3A_2 = arith.constant 0 : index
    %get3A_3 = vector.load %arg1[%get3A, %get3A_2] : memref<256x32xf32, #tpu.memory_space<vmem>>, vector<256x32xf32>
    %get3A_4 = arith.constant 0 : index
    %get3A_5 = arith.constant 0 : index
    %get3A_6 = vector.load %arg2[%get3A_4, %get3A_5] : memref<256x32xf32, #tpu.memory_space<vmem>>, vector<256x32xf32>
    %get3A_7 = arith.constant 0 : index
    %get3A_8 = arith.constant 0 : index
    %get3A_9 = vector.load %arg3[%get3A_7, %get3A_8] : memref<256x1xf32, #tpu.memory_space<vmem>>, vector<256x1xf32>
    %get3A_10 = arith.constant 0 : index
    %get3A_11 = arith.constant 0 : index
    %get3A_12 = vector.load %arg4[%get3A_10, %get3A_11] : memref<256x1xf32, #tpu.memory_space<vmem>>, vector<256x1xf32>
    %get3A_13 = arith.constant 0 : index
    %get3A_14 = arith.constant 0 : index
    %get3A_15 = arith.constant 0 : index
    %get3A_16 = vector.load %arg5[%get3A_13, %get3A_14, %get3A_15] : memref<256x50x32xf32, #tpu.memory_space<vmem>>, vector<256x50x32xf32>
    %get3A_17 = arith.constant 0 : index
    %get3A_18 = arith.constant 0 : index
    %get3A_19 = vector.load %arg6[%get3A_17, %get3A_18] : memref<256x50xf32, #tpu.memory_space<vmem>>, vector<256x50xf32>
    %get3A_20 = arith.constant 0 : index
    %get3A_21 = arith.constant 0 : index
    %get3A_22 = arith.constant 0 : index
    %get3A_23 = vector.load %arg7[%get3A_20, %get3A_21, %get3A_22] : memref<256x10x32xf32, #tpu.memory_space<vmem>>, vector<256x10x32xf32>
    %get3A_24 = arith.constant 0 : index
    %get3A_25 = arith.constant 0 : index
    %get3A_26 = vector.load %arg8[%get3A_24, %get3A_25] : memref<256x10xf32, #tpu.memory_space<vmem>>, vector<256x10xf32>
    %mul3A = arith.mulf %get3A_3, %get3A_6 : vector<256x32xf32>
    %reduce_sum3A = arith.constant dense<0.000000e+00> : vector<256xf32>
    %reduce_sum3A_27 = vector.multi_reduction <add>, %mul3A, %reduce_sum3A [1] : vector<256x32xf32> to vector<256xf32>
    %broadcast_in_dim3A = vector.shape_cast %reduce_sum3A_27 : vector<256xf32> to vector<256x1xf32>
    %mul3A_28 = arith.mulf %get3A_9, %get3A_12 : vector<256x1xf32>
    %mul3A_29 = arith.constant 1.000000e+00 : f32
    %mul3A_30 = vector.broadcast %mul3A_29 : f32 to vector<256x1xf32>
    %mul3A_31 = arith.mulf %mul3A_30, %mul3A_28 : vector<256x1xf32>
    %add3A = arith.constant 1.000000e-07 : f32
    %add3A_32 = vector.broadcast %add3A : f32 to vector<256x1xf32>
    %add3A_33 = arith.addf %add3A_32, %mul3A_31 : vector<256x1xf32>
    %neg3A = arith.constant 0.000000e+00 : f32
    %neg3A_34 = vector.broadcast %neg3A : f32 to vector<256x1xf32>
    %neg3A_35 = arith.subf %neg3A_34, %broadcast_in_dim3A : vector<256x1xf32>
    %custom_jvp_call3A = arith.constant 0.000000e+00 : f32
    %max3A = vector.broadcast %custom_jvp_call3A : f32 to vector<256x1xf32>
    %max3A_36 = arith.maximumf %neg3A_35, %max3A : vector<256x1xf32>
    %sub3A = vector.broadcast %custom_jvp_call3A : f32 to vector<256x1xf32>
    %sub3A_37 = arith.subf %neg3A_35, %sub3A : vector<256x1xf32>
    %ne3A = arith.cmpf one, %sub3A_37, %sub3A_37 : vector<256x1xf32>
    %add3A_38 = vector.broadcast %custom_jvp_call3A : f32 to vector<256x1xf32>
    %add3A_39 = arith.addf %neg3A_35, %add3A_38 : vector<256x1xf32>
    %abs3A = math.absf %sub3A_37 : vector<256x1xf32>
    %neg3A_40 = arith.constant 0.000000e+00 : f32
    %neg3A_41 = vector.broadcast %neg3A_40 : f32 to vector<256x1xf32>
    %neg3A_42 = arith.subf %neg3A_41, %abs3A : vector<256x1xf32>
    %exp3A = math.exp %neg3A_42 : vector<256x1xf32>
    %log1p3A = math.log1p %exp3A : vector<256x1xf32>
    %add3A_43 = arith.addf %max3A_36, %log1p3A : vector<256x1xf32>
    %select_n3A = arith.select %ne3A, %add3A_39, %add3A_43 : vector<256x1xi1>, vector<256x1xf32>
    %mul3A_44 = arith.mulf %add3A_33, %select_n3A : vector<256x1xf32>
    %reduce_sum3A_45 = vector.shape_cast %mul3A_44 : vector<256x1xf32> to vector<1x256x1xf32>
    %reduce_sum3A_46 = arith.constant dense<0.000000e+00> : vector<1xf32>
    %reduce_sum3A_47 = vector.multi_reduction <add>, %reduce_sum3A_45, %reduce_sum3A_46 [1, 2] : vector<1x256x1xf32> to vector<1xf32>
    %reduce_sum3A_48 = vector.shape_cast %reduce_sum3A_47 : vector<1xf32> to vector<1x1x1xf32>
    %reduce_sum3A_49 = vector.extract %reduce_sum3A_48[0, 0, 0] : f32 from vector<1x1x1xf32>
    %broadcast_in_dim3A_50 = vector.shape_cast %get3A_3 : vector<256x32xf32> to vector<256x1x32xf32>
    %mul3A_51 = vector.broadcast %broadcast_in_dim3A_50 : vector<256x1x32xf32> to vector<256x50x32xf32>
    %mul3A_52 = arith.mulf %mul3A_51, %get3A_16 : vector<256x50x32xf32>
    %reduce_sum3A_53 = arith.constant dense<0.000000e+00> : vector<256x50xf32>
    %reduce_sum3A_54 = vector.multi_reduction <add>, %mul3A_52, %reduce_sum3A_53 [2] : vector<256x50x32xf32> to vector<256x50xf32>
    %mul3A_55 = vector.broadcast %get3A_9 : vector<256x1xf32> to vector<256x50xf32>
    %mul3A_56 = arith.mulf %mul3A_55, %get3A_19 : vector<256x50xf32>
    %mul3A_57 = arith.constant 1.000000e+00 : f32
    %mul3A_58 = vector.broadcast %mul3A_57 : f32 to vector<256x50xf32>
    %mul3A_59 = arith.mulf %mul3A_58, %mul3A_56 : vector<256x50xf32>
    %add3A_60 = arith.constant 1.000000e-07 : f32
    %add3A_61 = vector.broadcast %add3A_60 : f32 to vector<256x50xf32>
    %add3A_62 = arith.addf %add3A_61, %mul3A_59 : vector<256x50xf32>
    %custom_jvp_call3A_63 = arith.constant 0.000000e+00 : f32
    %max3A_64 = vector.broadcast %custom_jvp_call3A_63 : f32 to vector<256x50xf32>
    %max3A_65 = arith.maximumf %reduce_sum3A_54, %max3A_64 : vector<256x50xf32>
    %sub3A_66 = vector.broadcast %custom_jvp_call3A_63 : f32 to vector<256x50xf32>
    %sub3A_67 = arith.subf %reduce_sum3A_54, %sub3A_66 : vector<256x50xf32>
    %ne3A_68 = arith.cmpf one, %sub3A_67, %sub3A_67 : vector<256x50xf32>
    %add3A_69 = vector.broadcast %custom_jvp_call3A_63 : f32 to vector<256x50xf32>
    %add3A_70 = arith.addf %reduce_sum3A_54, %add3A_69 : vector<256x50xf32>
    %abs3A_71 = math.absf %sub3A_67 : vector<256x50xf32>
    %neg3A_72 = arith.constant 0.000000e+00 : f32
    %neg3A_73 = vector.broadcast %neg3A_72 : f32 to vector<256x50xf32>
    %neg3A_74 = arith.subf %neg3A_73, %abs3A_71 : vector<256x50xf32>
    %exp3A_75 = math.exp %neg3A_74 : vector<256x50xf32>
    %log1p3A_76 = math.log1p %exp3A_75 : vector<256x50xf32>
    %add3A_77 = arith.addf %max3A_65, %log1p3A_76 : vector<256x50xf32>
    %select_n3A_78 = arith.select %ne3A_68, %add3A_70, %add3A_77 : vector<256x50xi1>, vector<256x50xf32>
    %mul3A_79 = arith.mulf %add3A_62, %select_n3A_78 : vector<256x50xf32>
    %reduce_sum3A_80 = vector.shape_cast %mul3A_79 : vector<256x50xf32> to vector<1x256x50xf32>
    %reduce_sum3A_81 = arith.constant dense<0.000000e+00> : vector<1xf32>
    %reduce_sum3A_82 = vector.multi_reduction <add>, %reduce_sum3A_80, %reduce_sum3A_81 [1, 2] : vector<1x256x50xf32> to vector<1xf32>
    %reduce_sum3A_83 = vector.shape_cast %reduce_sum3A_82 : vector<1xf32> to vector<1x1x1xf32>
    %reduce_sum3A_84 = vector.extract %reduce_sum3A_83[0, 0, 0] : f32 from vector<1x1x1xf32>
    %broadcast_in_dim3A_85 = vector.shape_cast %get3A_3 : vector<256x32xf32> to vector<256x1x32xf32>
    %mul3A_86 = vector.broadcast %broadcast_in_dim3A_85 : vector<256x1x32xf32> to vector<256x10x32xf32>
    %mul3A_87 = arith.mulf %mul3A_86, %get3A_23 : vector<256x10x32xf32>
    %reduce_sum3A_88 = arith.constant dense<0.000000e+00> : vector<256x10xf32>
    %reduce_sum3A_89 = vector.multi_reduction <add>, %mul3A_87, %reduce_sum3A_88 [2] : vector<256x10x32xf32> to vector<256x10xf32>
    %neg3A_90 = arith.constant 0.000000e+00 : f32
    %neg3A_91 = vector.broadcast %neg3A_90 : f32 to vector<256x10xf32>
    %neg3A_92 = arith.subf %neg3A_91, %reduce_sum3A_89 : vector<256x10xf32>
    %custom_jvp_call3A_93 = arith.constant 0.000000e+00 : f32
    %max3A_94 = vector.broadcast %custom_jvp_call3A_93 : f32 to vector<256x10xf32>
    %max3A_95 = arith.maximumf %neg3A_92, %max3A_94 : vector<256x10xf32>
    %sub3A_96 = vector.broadcast %custom_jvp_call3A_93 : f32 to vector<256x10xf32>
    %sub3A_97 = arith.subf %neg3A_92, %sub3A_96 : vector<256x10xf32>
    %ne3A_98 = arith.cmpf one, %sub3A_97, %sub3A_97 : vector<256x10xf32>
    %add3A_99 = vector.broadcast %custom_jvp_call3A_93 : f32 to vector<256x10xf32>
    %add3A_100 = arith.addf %neg3A_92, %add3A_99 : vector<256x10xf32>
    %abs3A_101 = math.absf %sub3A_97 : vector<256x10xf32>
    %neg3A_102 = arith.constant 0.000000e+00 : f32
    %neg3A_103 = vector.broadcast %neg3A_102 : f32 to vector<256x10xf32>
    %neg3A_104 = arith.subf %neg3A_103, %abs3A_101 : vector<256x10xf32>
    %exp3A_105 = math.exp %neg3A_104 : vector<256x10xf32>
    %log1p3A_106 = math.log1p %exp3A_105 : vector<256x10xf32>
    %add3A_107 = arith.addf %max3A_95, %log1p3A_106 : vector<256x10xf32>
    %select_n3A_108 = arith.select %ne3A_98, %add3A_100, %add3A_107 : vector<256x10xi1>, vector<256x10xf32>
    %mul3A_109 = arith.mulf %get3A_26, %select_n3A_108 : vector<256x10xf32>
    %reduce_sum3A_110 = vector.shape_cast %mul3A_109 : vector<256x10xf32> to vector<1x256x10xf32>
    %reduce_sum3A_111 = arith.constant dense<0.000000e+00> : vector<1xf32>
    %reduce_sum3A_112 = vector.multi_reduction <add>, %reduce_sum3A_110, %reduce_sum3A_111 [1, 2] : vector<1x256x10xf32> to vector<1xf32>
    %reduce_sum3A_113 = vector.shape_cast %reduce_sum3A_112 : vector<1xf32> to vector<1x1x1xf32>
    %reduce_sum3A_114 = vector.extract %reduce_sum3A_113[0, 0, 0] : f32 from vector<1x1x1xf32>
    %get3A_115 = arith.constant 0 : index
    %get3A_116 = memref.load %arg10[%get3A_115] : memref<1xf32, #tpu.memory_space<smem>>
    %mul3A_117 = arith.constant 2.000000e-01 : f32
    %mul3A_118 = arith.mulf %mul3A_117, %reduce_sum3A_84 : f32
    %add3A_119 = arith.addf %reduce_sum3A_49, %mul3A_118 : f32
    %mul3A_120 = arith.constant 2.750000e+00 : f32
    %mul3A_121 = arith.mulf %mul3A_120, %reduce_sum3A_114 : f32
    %add3A_122 = arith.addf %add3A_119, %mul3A_121 : f32
    %add3A_123 = arith.addf %get3A_116, %add3A_122 : f32
    %swap3A = arith.constant 0 : index
    %swap3A_124 = memref.load %arg10[%swap3A] : memref<1xf32, #tpu.memory_space<smem>>
    memref.store %add3A_123, %arg10[%swap3A] : memref<1xf32, #tpu.memory_space<smem>>
    %eq3A_125 = arith.constant 15 : i32
    %eq3A_126 = arith.cmpi eq, %arg0, %eq3A_125 : i32
    %convert_element_type3A_127 = arith.extui %eq3A_126 : i1 to i32
    %cond3A_128 = arith.constant 0 : i32
    %cond3A_129 = arith.cmpi ne, %convert_element_type3A_127, %cond3A_128 : i32
    scf.if %cond3A_129 {
      %get3A_130 = arith.constant 0 : index
      %get3A_131 = memref.load %arg10[%get3A_130] : memref<1xf32, #tpu.memory_space<smem>>
      %swap3A_132 = arith.constant 0 : index
      %swap3A_133 = memref.load %arg9[%swap3A_132] : memref<1xf32, #tpu.memory_space<smem>>
      memref.store %get3A_131, %arg9[%swap3A_132] : memref<1xf32, #tpu.memory_space<smem>>
    } else {
    }
    return
  }
  func.func @transform_0(%arg0: i32) -> (i32, i32) {
    %c0_i32 = arith.constant 0 : i32
    %c0_i32_0 = arith.constant 0 : i32
    return %arg0, %c0_i32 : i32, i32
  }
  func.func @transform_1(%arg0: i32) -> (i32, i32) {
    %c0_i32 = arith.constant 0 : i32
    %c0_i32_0 = arith.constant 0 : i32
    return %arg0, %c0_i32 : i32, i32
  }
  func.func @transform_2(%arg0: i32) -> (i32, i32) {
    %c0_i32 = arith.constant 0 : i32
    %c0_i32_0 = arith.constant 0 : i32
    return %arg0, %c0_i32 : i32, i32
  }
  func.func @transform_3(%arg0: i32) -> (i32, i32) {
    %c0_i32 = arith.constant 0 : i32
    %c0_i32_0 = arith.constant 0 : i32
    return %arg0, %c0_i32 : i32, i32
  }
  func.func @transform_4(%arg0: i32) -> (i32, i32, i32) {
    %c0_i32 = arith.constant 0 : i32
    %c0_i32_0 = arith.constant 0 : i32
    %c0_i32_1 = arith.constant 0 : i32
    return %arg0, %c0_i32, %c0_i32_0 : i32, i32, i32
  }
  func.func @transform_5(%arg0: i32) -> (i32, i32) {
    %c0_i32 = arith.constant 0 : i32
    %c0_i32_0 = arith.constant 0 : i32
    return %arg0, %c0_i32 : i32, i32
  }
  func.func @transform_6(%arg0: i32) -> (i32, i32, i32) {
    %c0_i32 = arith.constant 0 : i32
    %c0_i32_0 = arith.constant 0 : i32
    %c0_i32_1 = arith.constant 0 : i32
    return %arg0, %c0_i32, %c0_i32_0 : i32, i32, i32
  }
  func.func @transform_7(%arg0: i32) -> (i32, i32) {
    %c0_i32 = arith.constant 0 : i32
    %c0_i32_0 = arith.constant 0 : i32
    return %arg0, %c0_i32 : i32, i32
  }
  func.func @transform_8(%arg0: i32) -> i32 {
    %c0_i32 = arith.constant 0 : i32
    %c0_i32_0 = arith.constant 0 : i32
    return %c0_i32 : i32
  }
}

</mosaic_0001>

<sc_bundles>
// kernel: _run.6.cloned.1.call-start
scs
__scs_entry_jumppad:
0x0: {  	(pc) =	sbr.rel $0x88, $3  }
0x1: {  	(tag) =	ssettag $0x0;
	lr =	simm.s32 $0x1  }
0x2: {  	[smem:$0x3F98] =	sst lr;
	_ =	strace $0xD0000000  }
0x3: {  	_ = 	snop  }
0x4: {  	_ = 	snop  }
0x5: {  	_ = 	snop  }
0x6: {  	_ = 	snop  }
0x7: {  	_ = 	snop  }
__scs_overlays_trampoline_lowered:
0x8: {  	[smem:$0x3FA7] =	sst s0  }
0x9: {  	[smem:$0x3FA8] =	sst s1  }
0xa: {  	[smem:$0x3FA9] =	sst s2  }
0xb: {  	[smem:$0x3FAA] =	sst s3  }
0xc: {  	[smem:$0x3FAB] =	sst s4  }
0xd: {  	[smem:$0x3FAC] =	sst s5  }
0xe: {  	[smem:$0x3FAD] =	sst s6  }
0xf: {  	[smem:$0x3FAE] =	sst s7  }
0x10: {  	[smem:$0x3FAF] =	sst s8  }
0x11: {  	[smem:$0x3FB0] =	sst s9;
	s0 =	simm.s32 @!p0 $0x0  }
0x12: {  	s1 =	sld [smem:$0x3F96];
	s0 =	simm.s32 @p0 $0x1  }
0x13: {  	[smem:$0x3FB1] =	sst s0;
	s0 =	simm.s32 @!p1 $0x0  }
0x14: {  	s2 =	sld [smem:$0x3F95];
	s0 =	simm.s32 @p1 $0x1  }
0x15: {  	[smem:$0x3FB2] =	sst s0;
	s0 =	simm.s32 @!p2 $0x0  }
0x16: {  	s3 =	sld [smem:$0x3FDB];
	s0 =	simm.s32 @p2 $0x1  }
0x17: {  	s4 =	simm.s32 $0x1BF5;
	[smem:$0x3FB4] =	sst s0  }
0x18: {  	s0 =	sld [smem:$0x3F97];
	_ =	swait.ge [sflag:s4], $0x0  }
0x19: {  	s7 =	sld [smem:$0x3F98]  }
0x1a: {  	s8 =	sadd.s32 $0xFFFFE003, lr  }
0x1b: {  	s9 =	sadd.s32 $0xFFFFFEF7, lr;
	s5 =	simm.s32 $0xFFFFFFFF;
	p2 =	slt.u32 s8, $0xFFFFF086  }
0x1c: {  	p1 =	slt.u32 s9, $0xF7A;
	s5 =	simm.s32 @!p2 $0x0  }
0x1d: {  	s5 =	simm.s32 @p1 $0x1;
	p0 =	seq.s32 s7, s2  }
0x1e: {  	s7 =	smul.u32 @!p0 $0xF7A, s2;
	p2 =	seq.s32 @!p0 s5, $0x0  }
0x1f: {  	s9 =	smul.u32 $0xF7A, s1;
	s8 =	simm.s32 @!p0 $0x1BF5;
	p2 =	por !p2, p0  }
0x20: {  	[sflag:s8] =	ssyncset.s32 @!p0 $0xFFFFF086;
	s6 =	sadd.s32 @!p0 s3, s7;
	s7 =	simm.s32 @!p0 $0x108  }
0x21: {  	s3 =	sadd.s32 s3, s9;
	s6 =	sadd.s32 @!p0 $0x88, s6;
	s7 =	simm.s32 @p2 $0x1082  }
0x22: {  	[simem:s7], [sflag:s8] =	dma.local @!p0 [hbm:s6], $0xF7A  }
0x23: {  	s9 =	sor.u32 $0xD0000000, s2;
	s6 =	simm.s32 $0x108;
	_ =	swait.ge @!p0 [sflag:s8], $0x0  }
0x24: {  	s3 =	sadd.s32 $0x88, s3;
	s6 =	simm.s32 @!p1 $0x1082;
	[sflag:s4] =	ssyncset.s32 $0xFFFFF086  }
0x25: {  	[simem:s6], [sflag:s4] =	dma.local [hbm:s3], $0xF7A  }
0x26: {  	[smem:$0x3F98] =	sst s1;
	(tag) =	ssettag s2;
	_ =	strace s9  }
0x27: {  	s1 =	sld [smem:$0x3FA8]  }
0x28: {  	s2 =	sld [smem:$0x3FA9]  }
0x29: {  	s4 =	sld [smem:$0x3FAB]  }
0x2a: {  	p0 =	seq.s32 s5, $0x0;
	s5 =	sld [smem:$0x3FAC]  }
0x2b: {  	s6 =	sld [smem:$0x3FAD]  }
0x2c: {  	s7 =	sld [smem:$0x3FAE]  }
0x2d: {  	s3 =	simm.s32 $0x108;
	s8 =	sld [smem:$0x3FAF]  }
0x2e: {  	s3 =	simm.s32 @!p0 $0x1082;
	s9 =	sld [smem:$0x3FB0]  }
0x2f: {  	lr =	sadd.s32 s0, s3;
	s0 =	sld [smem:$0x3FA7]  }
0x30: {  	s3 =	sld [smem:$0x3FAA]  }
0x31: {  	[smem:$0x3FB3] =	sst s10  }
0x32: {  	s10 =	sld [smem:$0x3FB1];
	_ =	sdelay $0x3  }
0x33: {  	p0 =	seq.s32 s10, $0x1;
	s10 =	sld [smem:$0x3FB3];
	_ =	sdelay $0x3  }
0x34: {  	[smem:$0x3FB3] =	sst s10  }
0x35: {  	s10 =	sld [smem:$0x3FB2];
	_ =	sdelay $0x3  }
0x36: {  	p1 =	seq.s32 s10, $0x1;
	s10 =	sld [smem:$0x3FB3];
	_ =	sdelay $0x3  }
0x37: {  	[smem:$0x3FB3] =	sst s10  }
0x38: {  	s10 =	sld [smem:$0x3FB4]  }
0x39: {  	_ = 	snop;
	(pc) =	sbr.ind lr, $3  }
0x3a: {  	_ = 	snop  }
0x3b: {  	_ = 	snop  }
0x3c: {  	p2 =	seq.s32 s10, $0x1;
	s10 =	sld [smem:$0x3FB3]  }
0x3d: {  	_ =	shalt  }
0x3e: {  	_ =	shalt  }
0x3f: {  	_ =	shalt  }
0x40: {  	_ =	shalt  }
0x41: {  	_ =	shalt  }
0x42: {  	_ =	shalt  }
0x43: {  	_ =	shalt  }
0x44: {  	_ =	shalt  }
0x45: {  	_ =	shalt  }
0x46: {  	_ =	shalt  }
0x47: {  	_ =	shalt  }
0x48: {  	_ =	shalt  }
0x49: {  	_ =	shalt  }
0x4a: {  	_ =	shalt  }
0x4b: {  	_ =	shalt  }
0x4c: {  	_ =	shalt  }
0x4d: {  	_ =	shalt  }
0x4e: {  	_ =	shalt  }
0x4f: {  	_ =	shalt  }
0x50: {  	_ =	shalt  }
0x51: {  	_ =	shalt  }
0x52: {  	_ =	shalt  }
0x53: {  	_ =	shalt  }
0x54: {  	_ =	shalt  }
0x55: {  	_ =	shalt  }
0x56: {  	_ =	shalt  }
0x57: {  	_ =	shalt  }
0x58: {  	_ =	shalt  }
0x59: {  	_ =	shalt  }
0x5a: {  	_ =	shalt  }
0x5b: {  	_ =	shalt  }
0x5c: {  	_ =	shalt  }
0x5d: {  	_ =	shalt  }
0x5e: {  	_ =	shalt  }
0x5f: {  	_ =	shalt  }
0x60: {  	_ =	shalt  }
0x61: {  	_ =	shalt  }
0x62: {  	_ =	shalt  }
0x63: {  	_ =	shalt  }
0x64: {  	_ =	shalt  }
0x65: {  	_ =	shalt  }
0x66: {  	_ =	shalt  }
0x67: {  	_ =	shalt  }
0x68: {  	_ =	shalt  }
0x69: {  	_ =	shalt  }
0x6a: {  	_ =	shalt  }
0x6b: {  	_ =	shalt  }
0x6c: {  	_ =	shalt  }
0x6d: {  	_ =	shalt  }
0x6e: {  	_ =	shalt  }
0x6f: {  	_ =	shalt  }
0x70: {  	_ =	shalt  }
0x71: {  	_ =	shalt  }
0x72: {  	_ =	shalt  }
0x73: {  	_ =	shalt  }
0x74: {  	_ =	shalt  }
0x75: {  	_ =	shalt  }
0x76: {  	_ =	shalt  }
0x77: {  	_ =	shalt  }
0x78: {  	_ =	shalt  }
0x79: {  	_ =	shalt  }
0x7a: {  	_ =	shalt  }
0x7b: {  	_ =	shalt  }
0x7c: {  	_ =	shalt  }
0x7d: {  	_ =	shalt  }
0x7e: {  	_ =	shalt  }
0x7f: {  	_ =	shalt  }
0x80: {  	_ =	shalt  }
0x81: {  	_ =	shalt  }
0x82: {  	_ =	shalt  }
0x83: {  	_ =	shalt  }
0x84: {  	_ =	shalt  }
0x85: {  	_ =	shalt  }
0x86: {  	_ =	shalt  }
0x87: {  	_ =	shalt  }
.Lfunc_end0:
.L_simem_size_0:
called_computation_lowered:
.L_overlay_start_0:
0x88: {  	s2 =	sld [smem:$0x3FD9]  }
0x89: {  	s3 =	sld [smem:$0x3FFE];
	_ =	sdelay $0x1  }
0x8a: {  	s1 =	srdreg.scid  }
0x8b: {  	s0 =	sand.u32 $0x1, s1  }
0x8c: {  	s17 =	sshll.u32 s0, $0xA;
	s2 =	sadd.s32 s3, s2  }
0x8d: {  	s2 =	sadd.s32 s2, s17  }
0x8e: {  	[smem:$0x3FBF] =	sst s2  }
0x8f: {  	_ = 	snop  }
0x90: {  	s2 =	sld [smem:$0x3FC9]  }
0x91: {  	s18 =	sld [smem:$0x3FC8]  }
0x92: {  	s4 =	sld [smem:$0x3FC4]  }
0x93: {  	s5 =	sld [smem:$0x3FC3];
	(tm) =	ssettm $0x1  }
0x94: {  	s6 =	sld [smem:$0x3FFB];
	_ =	sdelay $0x3  }
0x95: {  	_ =	strace s6  }
0x96: {  	s6 =	sld [smem:$0x3FFC];
	_ =	sdelay $0x3  }
0x97: {  	_ =	strace s6  }
0x98: {  	s6 =	sld [smem:$0x3FFD];
	_ =	sdelay $0x3  }
0x99: {  	_ =	strace s6  }
0x9a: {  	_ =	strace $0x8FFFFFFF  }
0x9b: {  	s19 =	sld [smem:$0x3FDB];
	_ =	sdelay $0x1  }
0x9c: {  	s7 =	simm.s32 $_scs_section_size  }
0x9d: {  	s8 =	simm.s32 $_size__tile_overlayer_lowered;
	s9 =	simm.s32 $_tile_overlayer_lowered  }
0x9e: {  	s22 =	simm.s32 $0x1BFF;
	s21 =	sshll.u32 s9, $0x1;
	s6 =	sadd.s32 s7, s19  }
0x9f: {  	s10 =	simm.s32 $0x0;
	s20 =	sshll.u32 s8, $0x1;
	s8 =	sadd.s32 s21, s6  }
0xa0: {  	[timem:s10], [sflag:s22] =	dma.local [hbm:s8], s20  }
0xa1: {  	_ =	swait.ge [sflag:s22], s20  }
0xa2: {  	s7 =	ssub.s32 $0x0, s20;
	[sflag:s22] =	ssyncset.done $0x0  }
0xa3: {  	[sflag:s22] =	ssyncadd.s32 s7;
	_ =	sdelay $0x1  }
0xa4: {  	s23 =	simm.s32 $0x1B8B  }
0xa5: {  	_ =	swait.ge [sflag:s23], $0x1  }
0xa6: {  	[sflag:s23] =	ssyncset.done $0x0  }
0xa7: {  	s25 =	simm.s32 $0x1B8E;
	s24 =	sld [smem:$0x3FFE];
	[sflag:s23] =	ssyncadd.s32 $0xFFFFFFFF  }
0xa8: {  	s26 =	simm.s32 $execute0_lowered;
	[smem:$0x3FD2] =	sst s25  }
0xa9: {  	s8 =	sshll.u32 s26, $0x1;
	_ =	strace $0x80000046;
	[dreg:$0x1] =	wrdreg $0xFFFFFFFF  }
0xaa: {  	s28 =	simm.s32 $_size_execute0_lowered;
	s6 =	sadd.s32 s6, s8;
	[dreg:$0x0] =	wrdreg $0x0  }
0xab: {  	s8 =	sshll.u32 s28, $0x1;
	[dreg:$0x2] =	wrdreg s6  }
0xac: {  	[dreg:$0x3] =	wrdreg s8  }
0xad: {  	[dreg:$0x4] =	wrdreg $0xC0  }
0xae: {  	_ =	task [dreg:s10], $0x5FFFF  }
0xaf: {  	[dreg:$0x1] =	wrdreg $0xFFFFFFFF  }
0xb0: {  	[dreg:$0x0] =	wrdreg $0x60  }
0xb1: {  	[dreg:$0x2] =	wrdreg s2  }
0xb2: {  	[dreg:$0x3] =	wrdreg s18  }
0xb3: {  	[dreg:$0x4] =	wrdreg s24  }
0xb4: {  	[dreg:$0x5] =	wrdreg s4  }
0xb5: {  	[dreg:$0x6] =	wrdreg s5  }
0xb6: {  	[dreg:$0x7] =	wrdreg $0x9  }
0xb7: {  	_ =	task.clear_ibuf [dreg:s10], $0x8FFFF;
	_ =	strace $0x90000046  }
0xb8: {  	s29 =	simm.s32 $0x9;
	_ =	strace $0x80000048  }
0xb9: {  	_ =	swait.ge [sflag:s29], $0x1  }
0xba: {  	[sflag:s29] =	ssyncadd.s32 $0xFFFFFFFF  }
0xbb: {  	_ =	strace $0x90000048  }
0xbc: {  	_ =	sfence  }
0xbd: {  	s30 =	sld [smem:$0x0];
	_ =	sdelay $0x2  }
0xbe: {  	s31 =	sshll.u32 s1, $0xD;
	s1 =	sshrl.u32 s1, $0x2  }
0xbf: {  	s3 =	sand.u32 $0x4000, s31;
	s1 =	sadd.s32 s1, s30  }
0xc0: {  	s0 =	sor.u32 s3, s0;
	s1 =	sshll.u32 s1, $0x11  }
0xc1: {  	s0 =	sor.u32 s1, s0  }
0xc2: {  	s0 =	sadd.s32 $0x8F2B, s0  }
0xc3: {  	[sflag:s0] =	ssyncadd.remote.s32 $0x1  }
0xc4: {  	_ =	sfence.sel $0xFFFF  }
0xc5: {  	[dreg:$0x0] =	wrdreg $0xFFFFFFFF;
	(pc) =	sbr.abs _section_cstart, $3  }
0xc6: {  	[dreg:$0x1] =	wrdreg $0xFFFFFFFF  }
0xc7: {  	_ =	task.clear_ibuf [dreg:s10], $0x2FFFF;
	_ =	strace $0x9FFFFFFF  }
0xc8: {  	(tm) =	ssettm $0x7FFFFFFF  }
0xc9: {  	_ =	shalt  }
tec
execute0_lowered:
.L_overlay_start_1:
0x0: {  	(tag) =	ssettag $0x1  }
0x1: {  	s4 =	rddreg [dreg:$0x0]  }
0x2: {  	s5 =	rddreg [dreg:$0x1]  }
0x3: {  	s6 =	rddreg [dreg:$0x2]  }
0x4: {  	s1 =	rddreg [dreg:$0x3]  }
0x5: {  	s2 =	rddreg [dreg:$0x4]  }
0x6: {  	s3 =	simm.s32 $0x0;
	s12 =	srdreg.scid;
	[dreg:$0x7] =	wrdreg s1  }
0x7: {  	s0 =	stileid.u32;
	[smem:$0x7FF] =	sst s3;
	s7 =	sand.u32 $0x1, s12  }
0x8: {  	s13 =	sshll.u32 s0, $0x1;
	s0 =	smov.u32 s6;
	s6 =	sadd.s32 $0xF44A00, s6  }
0x9: {  	[dreg:$0xe] =	wrdreg s7;
	s1 =	sor.u32 s7, s13;
	s14 =	sadd.s32 $0x209600, s0  }
0xa: {  	s15 =	sadd.s32 $0x1EAC00, s0;
	_ =	strace $0x80000047;
	[dreg:$0x6] =	wrdreg s6  }
0xb: {  	s25 =	smul.u32 $0x1900, s1;
	[dreg:$0x8] =	wrdreg s14;
	s11 =	sshll.u32 s1, $0x4  }
0xc: {  	[dreg:$0x9] =	wrdreg s15;
	s16 =	smul.u32 $0xA0, s1;
	s4 =	sadd.s32 s4, s11  }
0xd: {  	s18 =	sadd.s32 s5, s11;
	[dreg:$0xa] =	wrdreg s4  }
0xe: {  	s17 =	sshrl.u32 s25, $0x3;
	[dreg:$0xb] =	wrdreg s18;
	s30 =	sadd.s32 s16, s0  }
0xf: {  	s19 =	sadd.s32 s17, s0;
	s21 =	rddreg [dreg:$0xa];
	s22 =	sadd.s32 $0x8A00, s30  }
0x10: {  	s20 =	sadd.s32 $0x2600, s19;
	[dreg:$0xd] =	wrdreg s22  }
0x11: {  	[tilespmem:s3], [sflag:$0x1] =	stream.linear.gather [hbm4b:s21+s3], $0x80, $0x38;
	[tilespmem:$0xF240] =	vst v63  }
0x12: {  	s4 =	simm.s32 $0x1;
	[dreg:$0xc] =	wrdreg s20  }
0x13: {  	_ =	swait.ge [sflag:s4], $0x80  }
0x14: {  	[sflag:s4] =	ssyncset.done $0x0  }
0x15: {  	s5 =	simm.s32 $0x80;
	s23 =	rddreg [dreg:$0xb];
	[sflag:s4] =	ssyncadd.s32 $0xFFFFFF80  }
0x16: {  	[tilespmem:s5], [sflag:$0x1] =	stream.linear.gather [hbm4b:s23+s3], $0x80, $0x38;
	[tilespmem:$0xF240] =	vst v63  }
0x17: {  	_ =	swait.ge [sflag:s4], $0x80  }
0x18: {  	[sflag:s4] =	ssyncset.done $0x0  }
0x19: {  	s6 =	simm.s32 $0x100;
	s24 =	rddreg [dreg:$0xc];
	[sflag:s4] =	ssyncadd.s32 $0xFFFFFF80  }
0x1a: {  	[tilespmem:s6], [sflag:$0x1] =	stream.linear.gather [hbm4b:s24+s3], $0x1900, $0x38;
	[tilespmem:$0xF240] =	vst v63  }
0x1b: {  	_ =	swait.ge [sflag:s4], $0x1900  }
0x1c: {  	[sflag:s4] =	ssyncset.done $0x0  }
0x1d: {  	s7 =	simm.s32 $0x1A00;
	s8 =	rddreg [dreg:$0xd];
	[sflag:s4] =	ssyncadd.s32 $0xFFFFE700  }
0x1e: {  	[tilespmem:s7], [sflag:$0x1] =	stream.linear.gather [hbm4b:s8+s3], $0x500, $0x38;
	[tilespmem:$0xF240] =	vst v63  }
0x1f: {  	_ =	swait.ge [sflag:s4], $0x500  }
0x20: {  	[sflag:s4] =	ssyncset.done $0x0  }
0x21: {  	s8 =	simm.s32 $0x2400;
	s9 =	rddreg [dreg:$0x6];
	[sflag:s4] =	ssyncadd.s32 $0xFFFFFB00  }
0x22: {  	[tilespmem:s8], [sflag:$0x1] =	stream.indirect.gather [hbm4b:s9+s5], $0x20, s3, s5, $0xb8;
	[tilespmem:$0xF240] =	vst v63  }
0x23: {  	s26 =	sshll.u32 s1, $0x9;
	_ =	swait.ge [sflag:s4], $0x1000  }
0x24: {  	s13 =	sadd.s32 s26, s0;
	[sflag:s4] =	ssyncset.done $0x0  }
0x25: {  	s9 =	sadd.s32 $0x105A00, s13;
	[sflag:s4] =	ssyncadd.s32 $0xFFFFF000  }
0x26: {  	[hbm4b:s9+s3] =	stream.linear.scatter [tilespmem:s8], [sflag:$0x1], $0x1000, $0x38;
	[tilespmem:$0xF240] =	vst v63  }
0x27: {  	_ =	swait.ge [sflag:s4], $0x1000  }
0x28: {  	[sflag:s4] =	ssyncset.done $0x0  }
0x29: {  	s10 =	simm.s32 $0xEC00;
	s12 =	rddreg [dreg:$0x7];
	[sflag:s4] =	ssyncadd.s32 $0xFFFFF000  }
0x2a: {  	[tilespmem:s10], [sflag:$0x1] =	stream.indirect.gather [hbm4b:s12+s5], $0x1, s3, s5, $0xb8;
	[tilespmem:$0xF240] =	vst v63  }
0x2b: {  	_ =	swait.ge [sflag:s4], $0x80  }
0x2c: {  	s14 =	sadd.s32 s11, s0;
	[sflag:s4] =	ssyncset.done $0x0  }
0x2d: {  	s11 =	sadd.s32 $0xF9E00, s14;
	[sflag:s4] =	ssyncadd.s32 $0xFFFFFF80  }
0x2e: {  	[hbm4b:s11+s3] =	stream.linear.scatter [tilespmem:s10], [sflag:$0x1], $0x80, $0x38;
	[tilespmem:$0xF240] =	vst v63  }
0x2f: {  	_ =	swait.ge [sflag:s4], $0x80  }
0x30: {  	[sflag:s4] =	ssyncset.done $0x0  }
0x31: {  	s12 =	sadd.s32 $0x189000, s0;
	[sflag:s4] =	ssyncadd.s32 $0xFFFFFF80  }
0x32: {  	[tilespmem:s8], [sflag:$0x1] =	stream.indirect.gather [hbm4b:s12+s5], $0x20, s5, s5, $0xb8;
	[tilespmem:$0xF240] =	vst v63  }
0x33: {  	_ =	swait.ge [sflag:s4], $0x1000  }
0x34: {  	[sflag:s4] =	ssyncset.done $0x0  }
0x35: {  	s13 =	sadd.s32 $0x101A00, s13;
	[sflag:s4] =	ssyncadd.s32 $0xFFFFF000  }
0x36: {  	[hbm4b:s13+s3] =	stream.linear.scatter [tilespmem:s8], [sflag:$0x1], $0x1000, $0x38;
	[tilespmem:$0xF240] =	vst v63  }
0x37: {  	_ =	swait.ge [sflag:s4], $0x1000  }
0x38: {  	[sflag:s4] =	ssyncset.done $0x0  }
0x39: {  	[sflag:s4] =	ssyncadd.s32 $0xFFFFF000  }
0x3a: {  	[tilespmem:s10], [sflag:$0x1] =	stream.indirect.gather [hbm4b:s2+s5], $0x1, s5, s5, $0xb8;
	[tilespmem:$0xF240] =	vst v63  }
0x3b: {  	_ =	swait.ge [sflag:s4], $0x80  }
0x3c: {  	[sflag:s4] =	ssyncset.done $0x0  }
0x3d: {  	s14 =	sadd.s32 $0xFA000, s14;
	[sflag:s4] =	ssyncadd.s32 $0xFFFFFF80  }
0x3e: {  	[hbm4b:s14+s3] =	stream.linear.scatter [tilespmem:s10], [sflag:$0x1], $0x80, $0x38;
	[tilespmem:$0xF240] =	vst v63  }
0x3f: {  	_ =	swait.ge [sflag:s4], $0x80  }
0x40: {  	[sflag:s4] =	ssyncset.done $0x0  }
0x41: {  	s15 =	simm.s32 $0x640;
	[sflag:s4] =	ssyncadd.s32 $0xFFFFFF80  }
0x42: {  	[tilespmem:s8], [sflag:$0x1] =	stream.indirect.gather [hbm4b:s12+s15], $0x20, s6, s15, $0xb8;
	[tilespmem:$0xF240] =	vst v63  }
0x43: {  	s16 =	smul.u32 $0x6400, s1;
	_ =	swait.ge [sflag:s4], $0xC800  }
0x44: {  	s26 =	sadd.s32 $0x9E00, s0;
	[sflag:s4] =	ssyncset.done $0x0  }
0x45: {  	s16 =	sadd.s32 s26, s16;
	[sflag:s4] =	ssyncadd.s32 $0xFFFF3800  }
0x46: {  	[hbm4b:s16+s3] =	stream.linear.scatter [tilespmem:s8], [sflag:$0x1], $0xC800, $0x38;
	[tilespmem:$0xF240] =	vst v63  }
0x47: {  	_ =	swait.ge [sflag:s4], $0xC800  }
0x48: {  	[sflag:s4] =	ssyncset.done $0x0  }
0x49: {  	[sflag:s4] =	ssyncadd.s32 $0xFFFF3800  }
0x4a: {  	[tilespmem:s10], [sflag:$0x1] =	stream.indirect.gather [hbm4b:s2+s15], $0x1, s6, s15, $0xb8;
	[tilespmem:$0xF240] =	vst v63  }
0x4b: {  	_ =	swait.ge [sflag:s4], $0x640  }
0x4c: {  	s28 =	sadd.s32 $0xFA200, s0;
	[sflag:s4] =	ssyncset.done $0x0  }
0x4d: {  	s17 =	sadd.s32 s28, s17;
	[sflag:s4] =	ssyncadd.s32 $0xFFFFF9C0  }
0x4e: {  	[hbm4b:s17+s3] =	stream.linear.scatter [tilespmem:s10], [sflag:$0x1], $0x640, $0x38;
	[tilespmem:$0xF240] =	vst v63  }
0x4f: {  	_ =	swait.ge [sflag:s4], $0x640  }
0x50: {  	[sflag:s4] =	ssyncset.done $0x0  }
0x51: {  	s18 =	simm.s32 $0x740;
	[sflag:s4] =	ssyncadd.s32 $0xFFFFF9C0  }
0x52: {  	[tilespmem:s8], [sflag:$0x1] =	stream.indirect.gather [hbm4b:s12+s15], $0x20, s18, s15, $0xb8;
	[tilespmem:$0xF240] =	vst v63  }
0x53: {  	s20 =	sadd.s32 $0x640, s25;
	_ =	swait.ge [sflag:s4], $0xC800  }
0x54: {  	s19 =	sshll.u32 s20, $0x2;
	[sflag:s4] =	ssyncset.done $0x0  }
0x55: {  	s19 =	sadd.s32 s26, s19;
	[sflag:s4] =	ssyncadd.s32 $0xFFFF3800  }
0x56: {  	[hbm4b:s19+s3] =	stream.linear.scatter [tilespmem:s8], [sflag:$0x1], $0xC800, $0x38;
	[tilespmem:$0xF240] =	vst v63  }
0x57: {  	_ =	swait.ge [sflag:s4], $0xC800  }
0x58: {  	[sflag:s4] =	ssyncset.done $0x0  }
0x59: {  	[sflag:s4] =	ssyncadd.s32 $0xFFFF3800  }
0x5a: {  	[tilespmem:s10], [sflag:$0x1] =	stream.indirect.gather [hbm4b:s2+s15], $0x1, s18, s15, $0xb8;
	[tilespmem:$0xF240] =	vst v63  }
0x5b: {  	_ =	swait.ge [sflag:s4], $0x640  }
0x5c: {  	s20 =	sshrl.u32 s20, $0x3;
	[sflag:s4] =	ssyncset.done $0x0  }
0x5d: {  	s20 =	sadd.s32 s28, s20;
	[sflag:s4] =	ssyncadd.s32 $0xFFFFF9C0  }
0x5e: {  	[hbm4b:s20+s3] =	stream.linear.scatter [tilespmem:s10], [sflag:$0x1], $0x640, $0x38;
	[tilespmem:$0xF240] =	vst v63  }
0x5f: {  	_ =	swait.ge [sflag:s4], $0x640  }
0x60: {  	[sflag:s4] =	ssyncset.done $0x0  }
0x61: {  	s21 =	simm.s32 $0xD80;
	[sflag:s4] =	ssyncadd.s32 $0xFFFFF9C0  }
0x62: {  	[tilespmem:s8], [sflag:$0x1] =	stream.indirect.gather [hbm4b:s12+s15], $0x20, s21, s15, $0xb8;
	[tilespmem:$0xF240] =	vst v63  }
0x63: {  	s23 =	sadd.s32 $0xC80, s25;
	_ =	swait.ge [sflag:s4], $0xC800  }
0x64: {  	s22 =	sshll.u32 s23, $0x2;
	[sflag:s4] =	ssyncset.done $0x0  }
0x65: {  	s22 =	sadd.s32 s26, s22;
	[sflag:s4] =	ssyncadd.s32 $0xFFFF3800  }
0x66: {  	[hbm4b:s22+s3] =	stream.linear.scatter [tilespmem:s8], [sflag:$0x1], $0xC800, $0x38;
	[tilespmem:$0xF240] =	vst v63  }
0x67: {  	_ =	swait.ge [sflag:s4], $0xC800  }
0x68: {  	[sflag:s4] =	ssyncset.done $0x0  }
0x69: {  	[sflag:s4] =	ssyncadd.s32 $0xFFFF3800  }
0x6a: {  	[tilespmem:s10], [sflag:$0x1] =	stream.indirect.gather [hbm4b:s2+s15], $0x1, s21, s15, $0xb8;
	[tilespmem:$0xF240] =	vst v63  }
0x6b: {  	_ =	swait.ge [sflag:s4], $0x640  }
0x6c: {  	s23 =	sshrl.u32 s23, $0x3;
	[sflag:s4] =	ssyncset.done $0x0  }
0x6d: {  	s23 =	sadd.s32 s28, s23;
	[sflag:s4] =	ssyncadd.s32 $0xFFFFF9C0  }
0x6e: {  	[hbm4b:s23+s3] =	stream.linear.scatter [tilespmem:s10], [sflag:$0x1], $0x640, $0x38;
	[tilespmem:$0xF240] =	vst v63  }
0x6f: {  	_ =	swait.ge [sflag:s4], $0x640  }
0x70: {  	[sflag:s4] =	ssyncset.done $0x0  }
0x71: {  	s24 =	simm.s32 $0x13C0;
	[sflag:s4] =	ssyncadd.s32 $0xFFFFF9C0  }
0x72: {  	[tilespmem:s8], [sflag:$0x1] =	stream.indirect.gather [hbm4b:s12+s15], $0x20, s24, s15, $0xb8;
	[tilespmem:$0xF240] =	vst v63  }
0x73: {  	s29 =	sadd.s32 $0x12C0, s25;
	_ =	swait.ge [sflag:s4], $0xC800  }
0x74: {  	s25 =	sshll.u32 s29, $0x2;
	[sflag:s4] =	ssyncset.done $0x0  }
0x75: {  	s25 =	sadd.s32 s26, s25;
	[sflag:s4] =	ssyncadd.s32 $0xFFFF3800  }
0x76: {  	[hbm4b:s25+s3] =	stream.linear.scatter [tilespmem:s8], [sflag:$0x1], $0xC800, $0x38;
	[tilespmem:$0xF240] =	vst v63  }
0x77: {  	_ =	swait.ge [sflag:s4], $0xC800  }
0x78: {  	[sflag:s4] =	ssyncset.done $0x0  }
0x79: {  	[sflag:s4] =	ssyncadd.s32 $0xFFFF3800  }
0x7a: {  	[tilespmem:s10], [sflag:$0x1] =	stream.indirect.gather [hbm4b:s2+s15], $0x1, s24, s15, $0xb8;
	[tilespmem:$0xF240] =	vst v63  }
0x7b: {  	_ =	swait.ge [sflag:s4], $0x640  }
0x7c: {  	s0 =	sshrl.u32 s29, $0x3;
	[sflag:s4] =	ssyncset.done $0x0  }
0x7d: {  	s26 =	sadd.s32 s28, s0;
	[sflag:s4] =	ssyncadd.s32 $0xFFFFF9C0  }
0x7e: {  	[hbm4b:s26+s3] =	stream.linear.scatter [tilespmem:s10], [sflag:$0x1], $0x640, $0x38;
	[tilespmem:$0xF240] =	vst v63  }
0x7f: {  	_ =	swait.ge [sflag:s4], $0x640  }
0x80: {  	s29 =	simm.s32 $0x1F00;
	[sflag:s4] =	ssyncset.done $0x0  }
0x81: {  	s28 =	simm.s32 $0x500;
	s0 =	rddreg [dreg:$0x8];
	[sflag:s4] =	ssyncadd.s32 $0xFFFFF9C0  }
0x82: {  	[tilespmem:s29], [sflag:$0x1] =	stream.indirect.gather [hbm4b:s0+s28], $0x1, s7, s28, $0xb8;
	[tilespmem:$0xF240] =	vst v63  }
0x83: {  	_ =	swait.ge [sflag:s4], $0x500  }
0x84: {  	[sflag:s4] =	ssyncset.done $0x0  }
0x85: {  	s0 =	rddreg [dreg:$0x9];
	[sflag:s4] =	ssyncadd.s32 $0xFFFFFB00  }
0x86: {  	[tilespmem:s10], [sflag:$0x1] =	stream.indirect.gather [hbm4b:s0+s28], $0x1, s7, s28, $0xb8;
	[tilespmem:$0xF240] =	vst v63  }
0x87: {  	_ =	swait.ge [sflag:s4], $0x500  }
0x88: {  	[sflag:s4] =	ssyncset.done $0x0  }
0x89: {  	s1 =	smul.u32 $0x1400, s1;
	s30 =	sadd.s32 $0x100600, s30;
	[sflag:s4] =	ssyncadd.s32 $0xFFFFFB00  }
0x8a: {  	[hbm4b:s30+s3] =	stream.linear.scatter [tilespmem:s10], [sflag:$0x1], $0x500, $0x38;
	[tilespmem:$0xF240] =	vst v63  }
0x8b: {  	_ =	swait.ge [sflag:s4], $0x500;
	[dreg:$0xf] =	wrdreg s1  }
0x8c: {  	[sflag:s4] =	ssyncset.done $0x0;
	s1 =	rddreg [dreg:$0xe]  }
0x8d: {  	s1 =	ssub.s32 $0x2, s1;
	[sflag:s4] =	ssyncadd.s32 $0xFFFFFB00  }
0x8e: {  	[tilespmem:s8], [sflag:$0x1] =	stream.indirect.gather [hbm4b:s12+s28], $0x20, s29, s28, $0xb8;
	[tilespmem:$0xF240] =	vst v63  }
0x8f: {  	s0 =	sshrl.u32 s1, $0x1  }
0x90: {  	_ =	swait.ge [sflag:s4], $0xA000;
	[dreg:$0x10] =	wrdreg s0  }
0x91: {  	s31 =	rddreg [dreg:$0x2]  }
0x92: {  	s0 =	rddreg [dreg:$0xf]  }
0x93: {  	s31 =	sadd.s32 s0, s31;
	s0 =	rddreg [dreg:$0x10]  }
0x94: {  	s0 =	ssub.s32 s1, s0  }
0x95: {  	s0 =	smax.u32 s0, $0x1  }
0x96: {  	p0 =	sne.s32 s0, $0x1  }
.Ltmp0:
0x97: {  	_ = 	snop;
	(pc) =	sbr.rel @!p0 .LBB2_2-.Ltmp0, $4  }
0x98: {  	[sflag:s4] =	ssyncset.done $0x0  }
0x99: {  	[sflag:s4] =	ssyncadd.s32 $0xFFFF6000;
	s31 =	sadd.s32 $0xD1E00, s31  }
0x9a: {  	[hbm4b:s31+s3] =	stream.linear.scatter [tilespmem:s8], [sflag:$0x1], $0xA000, $0x38;
	[tilespmem:$0xF240] =	vst v63  }
0x9b: {  	s0 =	sadd.s32 $0xFFFFFFFF, s0;
	_ =	swait.ge [sflag:s4], $0xA000  }
.LBB2_1:
0x9c: {  	[sflag:s4] =	ssyncset.done $0x0  }
0x9d: {  	s1 =	rddreg [dreg:$0xa];
	[sflag:s4] =	ssyncadd.s32 $0xFFFF6000  }
0x9e: {  	[tilespmem:s3], [sflag:$0x1] =	stream.linear.gather [hbm4b:s1+s3], $0x80, $0x38;
	[tilespmem:$0xF240] =	vst v63  }
0x9f: {  	_ =	swait.ge [sflag:s4], $0x80  }
0xa0: {  	[sflag:s4] =	ssyncset.done $0x0  }
0xa1: {  	s1 =	rddreg [dreg:$0xb];
	[sflag:s4] =	ssyncadd.s32 $0xFFFFFF80  }
0xa2: {  	[tilespmem:s5], [sflag:$0x1] =	stream.linear.gather [hbm4b:s1+s3], $0x80, $0x38;
	[tilespmem:$0xF240] =	vst v63  }
0xa3: {  	_ =	swait.ge [sflag:s4], $0x80  }
0xa4: {  	[sflag:s4] =	ssyncset.done $0x0  }
0xa5: {  	s1 =	rddreg [dreg:$0xc];
	[sflag:s4] =	ssyncadd.s32 $0xFFFFFF80  }
0xa6: {  	[tilespmem:s6], [sflag:$0x1] =	stream.linear.gather [hbm4b:s1+s3], $0x1900, $0x38;
	[tilespmem:$0xF240] =	vst v63  }
0xa7: {  	_ =	swait.ge [sflag:s4], $0x1900  }
0xa8: {  	[sflag:s4] =	ssyncset.done $0x0  }
0xa9: {  	s1 =	rddreg [dreg:$0xd];
	[sflag:s4] =	ssyncadd.s32 $0xFFFFE700  }
0xaa: {  	[tilespmem:s7], [sflag:$0x1] =	stream.linear.gather [hbm4b:s1+s3], $0x500, $0x38;
	[tilespmem:$0xF240] =	vst v63  }
0xab: {  	_ =	swait.ge [sflag:s4], $0x500  }
0xac: {  	[sflag:s4] =	ssyncset.done $0x0  }
0xad: {  	s1 =	rddreg [dreg:$0x6];
	[sflag:s4] =	ssyncadd.s32 $0xFFFFFB00  }
0xae: {  	[tilespmem:s8], [sflag:$0x1] =	stream.indirect.gather [hbm4b:s1+s5], $0x20, s3, s5, $0xb8;
	[tilespmem:$0xF240] =	vst v63  }
0xaf: {  	_ =	swait.ge [sflag:s4], $0x1000  }
0xb0: {  	[sflag:s4] =	ssyncset.done $0x0  }
0xb1: {  	[sflag:s4] =	ssyncadd.s32 $0xFFFFF000  }
0xb2: {  	[hbm4b:s9+s3] =	stream.linear.scatter [tilespmem:s8], [sflag:$0x1], $0x1000, $0x38;
	[tilespmem:$0xF240] =	vst v63  }
0xb3: {  	_ =	swait.ge [sflag:s4], $0x1000  }
0xb4: {  	[sflag:s4] =	ssyncset.done $0x0  }
0xb5: {  	s1 =	rddreg [dreg:$0x7];
	[sflag:s4] =	ssyncadd.s32 $0xFFFFF000  }
0xb6: {  	[tilespmem:s10], [sflag:$0x1] =	stream.indirect.gather [hbm4b:s1+s5], $0x1, s3, s5, $0xb8;
	[tilespmem:$0xF240] =	vst v63  }
0xb7: {  	_ =	swait.ge [sflag:s4], $0x80  }
0xb8: {  	[sflag:s4] =	ssyncset.done $0x0  }
0xb9: {  	[sflag:s4] =	ssyncadd.s32 $0xFFFFFF80  }
0xba: {  	[hbm4b:s11+s3] =	stream.linear.scatter [tilespmem:s10], [sflag:$0x1], $0x80, $0x38;
	[tilespmem:$0xF240] =	vst v63  }
0xbb: {  	_ =	swait.ge [sflag:s4], $0x80  }
0xbc: {  	[sflag:s4] =	ssyncset.done $0x0  }
0xbd: {  	[sflag:s4] =	ssyncadd.s32 $0xFFFFFF80  }
0xbe: {  	[tilespmem:s8], [sflag:$0x1] =	stream.indirect.gather [hbm4b:s12+s5], $0x20, s5, s5, $0xb8;
	[tilespmem:$0xF240] =	vst v63  }
0xbf: {  	_ =	swait.ge [sflag:s4], $0x1000  }
0xc0: {  	[sflag:s4] =	ssyncset.done $0x0  }
0xc1: {  	[sflag:s4] =	ssyncadd.s32 $0xFFFFF000  }
0xc2: {  	[hbm4b:s13+s3] =	stream.linear.scatter [tilespmem:s8], [sflag:$0x1], $0x1000, $0x38;
	[tilespmem:$0xF240] =	vst v63  }
0xc3: {  	_ =	swait.ge [sflag:s4], $0x1000  }
0xc4: {  	[sflag:s4] =	ssyncset.done $0x0  }
0xc5: {  	[sflag:s4] =	ssyncadd.s32 $0xFFFFF000  }
0xc6: {  	[tilespmem:s10], [sflag:$0x1] =	stream.indirect.gather [hbm4b:s2+s5], $0x1, s5, s5, $0xb8;
	[tilespmem:$0xF240] =	vst v63  }
0xc7: {  	_ =	swait.ge [sflag:s4], $0x80  }
0xc8: {  	[sflag:s4] =	ssyncset.done $0x0  }
0xc9: {  	[sflag:s4] =	ssyncadd.s32 $0xFFFFFF80  }
0xca: {  	[hbm4b:s14+s3] =	stream.linear.scatter [tilespmem:s10], [sflag:$0x1], $0x80, $0x38;
	[tilespmem:$0xF240] =	vst v63  }
0xcb: {  	_ =	swait.ge [sflag:s4], $0x80  }
0xcc: {  	[sflag:s4] =	ssyncset.done $0x0  }
0xcd: {  	[sflag:s4] =	ssyncadd.s32 $0xFFFFFF80  }
0xce: {  	[tilespmem:s8], [sflag:$0x1] =	stream.indirect.gather [hbm4b:s12+s15], $0x20, s6, s15, $0xb8;
	[tilespmem:$0xF240] =	vst v63  }
0xcf: {  	_ =	swait.ge [sflag:s4], $0xC800  }
0xd0: {  	[sflag:s4] =	ssyncset.done $0x0  }
0xd1: {  	[sflag:s4] =	ssyncadd.s32 $0xFFFF3800  }
0xd2: {  	[hbm4b:s16+s3] =	stream.linear.scatter [tilespmem:s8], [sflag:$0x1], $0xC800, $0x38;
	[tilespmem:$0xF240] =	vst v63  }
0xd3: {  	_ =	swait.ge [sflag:s4], $0xC800  }
0xd4: {  	[sflag:s4] =	ssyncset.done $0x0  }
0xd5: {  	[sflag:s4] =	ssyncadd.s32 $0xFFFF3800  }
0xd6: {  	[tilespmem:s10], [sflag:$0x1] =	stream.indirect.gather [hbm4b:s2+s15], $0x1, s6, s15, $0xb8;
	[tilespmem:$0xF240] =	vst v63  }
0xd7: {  	_ =	swait.ge [sflag:s4], $0x640  }
0xd8: {  	[sflag:s4] =	ssyncset.done $0x0  }
0xd9: {  	[sflag:s4] =	ssyncadd.s32 $0xFFFFF9C0  }
0xda: {  	[hbm4b:s17+s3] =	stream.linear.scatter [tilespmem:s10], [sflag:$0x1], $0x640, $0x38;
	[tilespmem:$0xF240] =	vst v63  }
0xdb: {  	_ =	swait.ge [sflag:s4], $0x640  }
0xdc: {  	[sflag:s4] =	ssyncset.done $0x0  }
0xdd: {  	[sflag:s4] =	ssyncadd.s32 $0xFFFFF9C0  }
0xde: {  	[tilespmem:s8], [sflag:$0x1] =	stream.indirect.gather [hbm4b:s12+s15], $0x20, s18, s15, $0xb8;
	[tilespmem:$0xF240] =	vst v63  }
0xdf: {  	_ =	swait.ge [sflag:s4], $0xC800  }
0xe0: {  	[sflag:s4] =	ssyncset.done $0x0  }
0xe1: {  	[sflag:s4] =	ssyncadd.s32 $0xFFFF3800  }
0xe2: {  	[hbm4b:s19+s3] =	stream.linear.scatter [tilespmem:s8], [sflag:$0x1], $0xC800, $0x38;
	[tilespmem:$0xF240] =	vst v63  }
0xe3: {  	_ =	swait.ge [sflag:s4], $0xC800  }
0xe4: {  	[sflag:s4] =	ssyncset.done $0x0  }
0xe5: {  	[sflag:s4] =	ssyncadd.s32 $0xFFFF3800  }
0xe6: {  	[tilespmem:s10], [sflag:$0x1] =	stream.indirect.gather [hbm4b:s2+s15], $0x1, s18, s15, $0xb8;
	[tilespmem:$0xF240] =	vst v63  }
0xe7: {  	_ =	swait.ge [sflag:s4], $0x640  }
0xe8: {  	[sflag:s4] =	ssyncset.done $0x0  }
0xe9: {  	[sflag:s4] =	ssyncadd.s32 $0xFFFFF9C0  }
0xea: {  	[hbm4b:s20+s3] =	stream.linear.scatter [tilespmem:s10], [sflag:$0x1], $0x640, $0x38;
	[tilespmem:$0xF240] =	vst v63  }
0xeb: {  	_ =	swait.ge [sflag:s4], $0x640  }
0xec: {  	[sflag:s4] =	ssyncset.done $0x0  }
0xed: {  	[sflag:s4] =	ssyncadd.s32 $0xFFFFF9C0  }
0xee: {  	[tilespmem:s8], [sflag:$0x1] =	stream.indirect.gather [hbm4b:s12+s15], $0x20, s21, s15, $0xb8;
	[tilespmem:$0xF240] =	vst v63  }
0xef: {  	_ =	swait.ge [sflag:s4], $0xC800  }
0xf0: {  	[sflag:s4] =	ssyncset.done $0x0  }
0xf1: {  	[sflag:s4] =	ssyncadd.s32 $0xFFFF3800  }
0xf2: {  	[hbm4b:s22+s3] =	stream.linear.scatter [tilespmem:s8], [sflag:$0x1], $0xC800, $0x38;
	[tilespmem:$0xF240] =	vst v63  }
0xf3: {  	_ =	swait.ge [sflag:s4], $0xC800  }
0xf4: {  	[sflag:s4] =	ssyncset.done $0x0  }
0xf5: {  	[sflag:s4] =	ssyncadd.s32 $0xFFFF3800  }
0xf6: {  	[tilespmem:s10], [sflag:$0x1] =	stream.indirect.gather [hbm4b:s2+s15], $0x1, s21, s15, $0xb8;
	[tilespmem:$0xF240] =	vst v63  }
0xf7: {  	_ =	swait.ge [sflag:s4], $0x640  }
0xf8: {  	[sflag:s4] =	ssyncset.done $0x0  }
0xf9: {  	[sflag:s4] =	ssyncadd.s32 $0xFFFFF9C0  }
0xfa: {  	[hbm4b:s23+s3] =	stream.linear.scatter [tilespmem:s10], [sflag:$0x1], $0x640, $0x38;
	[tilespmem:$0xF240] =	vst v63  }
0xfb: {  	_ =	swait.ge [sflag:s4], $0x640  }
0xfc: {  	[sflag:s4] =	ssyncset.done $0x0  }
0xfd: {  	[sflag:s4] =	ssyncadd.s32 $0xFFFFF9C0  }
0xfe: {  	[tilespmem:s8], [sflag:$0x1] =	stream.indirect.gather [hbm4b:s12+s15], $0x20, s24, s15, $0xb8;
	[tilespmem:$0xF240] =	vst v63  }
0xff: {  	_ =	swait.ge [sflag:s4], $0xC800  }
0x100: {  	[sflag:s4] =	ssyncset.done $0x0  }
0x101: {  	[sflag:s4] =	ssyncadd.s32 $0xFFFF3800  }
0x102: {  	[hbm4b:s25+s3] =	stream.linear.scatter [tilespmem:s8], [sflag:$0x1], $0xC800, $0x38;
	[tilespmem:$0xF240] =	vst v63  }
0x103: {  	_ =	swait.ge [sflag:s4], $0xC800  }
0x104: {  	[sflag:s4] =	ssyncset.done $0x0  }
0x105: {  	[sflag:s4] =	ssyncadd.s32 $0xFFFF3800  }
0x106: {  	[tilespmem:s10], [sflag:$0x1] =	stream.indirect.gather [hbm4b:s2+s15], $0x1, s24, s15, $0xb8;
	[tilespmem:$0xF240] =	vst v63  }
0x107: {  	_ =	swait.ge [sflag:s4], $0x640  }
0x108: {  	[sflag:s4] =	ssyncset.done $0x0  }
0x109: {  	[sflag:s4] =	ssyncadd.s32 $0xFFFFF9C0  }
0x10a: {  	[hbm4b:s26+s3] =	stream.linear.scatter [tilespmem:s10], [sflag:$0x1], $0x640, $0x38;
	[tilespmem:$0xF240] =	vst v63  }
0x10b: {  	_ =	swait.ge [sflag:s4], $0x640  }
0x10c: {  	[sflag:s4] =	ssyncset.done $0x0  }
0x10d: {  	s1 =	rddreg [dreg:$0x8];
	[sflag:s4] =	ssyncadd.s32 $0xFFFFF9C0  }
0x10e: {  	[tilespmem:s29], [sflag:$0x1] =	stream.indirect.gather [hbm4b:s1+s28], $0x1, s7, s28, $0xb8;
	[tilespmem:$0xF240] =	vst v63  }
0x10f: {  	_ =	swait.ge [sflag:s4], $0x500  }
0x110: {  	[sflag:s4] =	ssyncset.done $0x0  }
0x111: {  	s1 =	rddreg [dreg:$0x9];
	[sflag:s4] =	ssyncadd.s32 $0xFFFFFB00  }
0x112: {  	[tilespmem:s10], [sflag:$0x1] =	stream.indirect.gather [hbm4b:s1+s28], $0x1, s7, s28, $0xb8;
	[tilespmem:$0xF240] =	vst v63  }
0x113: {  	_ =	swait.ge [sflag:s4], $0x500  }
0x114: {  	[sflag:s4] =	ssyncset.done $0x0  }
0x115: {  	[sflag:s4] =	ssyncadd.s32 $0xFFFFFB00  }
0x116: {  	[hbm4b:s30+s3] =	stream.linear.scatter [tilespmem:s10], [sflag:$0x1], $0x500, $0x38;
	[tilespmem:$0xF240] =	vst v63  }
0x117: {  	_ =	swait.ge [sflag:s4], $0x500  }
0x118: {  	[sflag:s4] =	ssyncset.done $0x0  }
0x119: {  	p0 =	sne.s32 s0, $0x1;
	[sflag:s4] =	ssyncadd.s32 $0xFFFFFB00  }
0x11a: {  	[tilespmem:s8], [sflag:$0x1] =	stream.indirect.gather [hbm4b:s12+s28], $0x20, s29, s28, $0xb8;
	[tilespmem:$0xF240] =	vst v63  }
.Ltmp1:
0x11b: {  	_ =	swait.ge [sflag:s4], $0xA000;
	(pc) =	sbr.rel @p0 .LBB2_1-.Ltmp1, $4  }
0x11c: {  	[sflag:s4] =	ssyncset.done $0x0  }
0x11d: {  	[sflag:s4] =	ssyncadd.s32 $0xFFFF6000  }
0x11e: {  	[hbm4b:s31+s3] =	stream.linear.scatter [tilespmem:s8], [sflag:$0x1], $0xA000, $0x38;
	[tilespmem:$0xF240] =	vst v63  }
0x11f: {  	s0 =	sadd.s32 $0xFFFFFFFF, s0;
	_ =	swait.ge [sflag:s4], $0xA000  }
.LBB2_2:
0x120: {  	[sflag:s4] =	ssyncset.done $0x0  }
0x121: {  	[sflag:s4] =	ssyncadd.s32 $0xFFFF6000  }
0x122: {  	_ =	sfence.sel $0x180000  }
0x123: {  	[bflag:$0x0] =	sbarrier.arrive $0xFFFF  }
0x124: {  	_ =	strace $0x90000047  }
0x125: {  	s0 =	stileid.u32;
	[bflag:$0x2] =	sbarrier.arrive $0xFFFF  }
0x126: {  	p0 =	sne.s32 s0, $0x0;
	s0 =	rddreg [dreg:$0x5]  }
0x127: {  	s0 =	sadd.s32 @!p0 $0x100000, s0  }
0x128: {  	[sflag:s0] =	ssyncadd.tile.s32 @!p0 $0x1;
	_ =	shalt  }
.Lfunc_end2:
_tile_overlayer_lowered:
.L_overlay_start_2:
0x129: {  	(tag) =	ssettag $0x2  }
0x12a: {  	s0 =	rddreg [dreg:$0x0];
	s2 =	stileid.u32  }
0x12b: {  	s1 =	rddreg [dreg:$0x1];
	p0 =	sne.s32 s2, $0x0  }
0x12c: {  	s3 =	rddreg [dreg:$0x2];
	[bflag:$0x3] =	sbarrier.arrive $0xFFFF;
	s2 =	simm.s32 @!p0 $0x1C01  }
0x12d: {  	[timem:s3], [sflag:s2] =	dma.local @!p0 [hbm:s0], s1  }
0x12e: {  	s0 =	simm.s32 @!p0 $0x1  }
0x12f: {  	_ =	swait.ge @!p0 [sflag:s0], s1  }
0x130: {  	s1 =	ssub.s32 @!p0 $0x0, s1;
	[sflag:s0] =	ssyncset.done @!p0 $0x0  }
0x131: {  	[sflag:s0] =	ssyncadd.s32 @!p0 s1  }
0x132: {  	[bflag:$0x3] =	sbarrier.arrive $0xFFFF  }
0x133: {  	_ =	shalt  }

</sc_bundles>
